<compile_context>
chip_gen: v7x
topology: tpu7x:2x2x1
jax: 0.10.2.dev20260603
libtpu: 0.0.44.dev20260713+nightly
codegen_flags: <defaults>
</compile_context>

<pallas_src>
import functools

import jax
import jax.numpy as jnp
from jax.experimental import pallas as pl
from jax.experimental.pallas import tpu as pltpu
from jax.experimental.pallas import tpu_sc as plsc

_EMBED_DIM = 32
_N_EMBED = 8192
_TILE = 512
_GATHER_W = 128
_ROW_PAD = 128
_N_SLICES = 8
_MSE_TILE = 2048


def _prep_kernel(c_ref, ct_ref, cn_ref):
    c = c_ref[...]
    ct_ref[...] = jnp.concatenate(
        [c.T, jnp.zeros((_N_EMBED, _ROW_PAD - _EMBED_DIM), jnp.float32)],
        axis=1)
    cn_ref[...] = jnp.sum(c * c, axis=0, keepdims=True)


def _dist_argmax_kernel(s_ref, c_ref, cn_ref, idx_ref):
    s = s_ref[...]
    c = c_ref[...]
    s_norm = jnp.sum(s * s, axis=1, keepdims=True)
    m2 = jnp.dot(-2.0 * s, c, preferred_element_type=jnp.float32)
    dist = (s_norm + m2) + cn_ref[...]
    idx = jnp.argmax(dist, axis=1).astype(jnp.int32)
    idx_ref[...] = idx.reshape(1, 1, _TILE)


def _sc_gather(ct, idx_flat, n):
    mesh = plsc.VectorSubcoreMesh(core_axis_name="c", subcore_axis_name="s")
    n_workers = 32
    b_per_w = n // n_workers

    @functools.partial(
        pl.kernel, mesh=mesh,
        out_type=jax.ShapeDtypeStruct((n, _ROW_PAD), jnp.float32),
        scratch_types=[
            pltpu.VMEM((b_per_w,), jnp.int32),
            pltpu.VMEM((b_per_w, _ROW_PAD), jnp.float32),
            pltpu.SemaphoreType.DMA,
        ],
    )
    def k(ct_hbm, i_hbm, o_hbm, idx_v, rows_v, sem):
        wid = jax.lax.axis_index("s") * 2 + jax.lax.axis_index("c")
        base = wid * b_per_w
        pltpu.sync_copy(i_hbm.at[pl.ds(base, b_per_w)], idx_v)
        copies = []
        for j in range(b_per_w // _GATHER_W):
            copies.append(pltpu.async_copy(
                ct_hbm.at[idx_v.at[pl.ds(j * _GATHER_W, _GATHER_W)]],
                rows_v.at[pl.ds(j * _GATHER_W, _GATHER_W)], sem))
        for c in copies:
            c.wait()
        pltpu.sync_copy(rows_v, o_hbm.at[pl.ds(base, b_per_w)])

    return k(ct, idx_flat)


def _mse_kernel(*refs, total, steps_per_slice):
    *q_slice_refs, s_ref, q_ref, dsum_ref = refs
    t = pl.program_id(0)

    @pl.when(t == 0)
    def _init():
        dsum_ref[...] = jnp.zeros((8, 128), jnp.float32)

    for j, qj_ref in enumerate(q_slice_refs):
        lo = j * steps_per_slice

        @pl.when((t >= lo) & (t < lo + steps_per_slice))
        def _do(qj_ref=qj_ref):
            q = qj_ref[:, :_EMBED_DIM]
            q_ref[...] = q
            d = s_ref[...] - q
            dsum_ref[...] += jnp.full((8, 128), jnp.sum(d * d), jnp.float32)

    @pl.when(t == _N_SLICES * steps_per_slice - 1)
    def _fin():
        dsum_ref[...] = dsum_ref[...] / jnp.float32(total)


@jax.jit
def kernel(inputs, cluster_mean):
    B, H, W, K = inputs.shape
    n = B * H * W
    ns = n // _N_SLICES
    samples = inputs.reshape(n, K)

    ct, c_norm = pl.pallas_call(
        _prep_kernel,
        out_shape=[
            jax.ShapeDtypeStruct((_N_EMBED, _ROW_PAD), jnp.float32),
            jax.ShapeDtypeStruct((1, _N_EMBED), jnp.float32),
        ],
    )(cluster_mean)

    idx_slices, q128_slices = [], []
    for i in range(_N_SLICES):
        s_i = samples[i * ns:(i + 1) * ns]
        idx3 = pl.pallas_call(
            _dist_argmax_kernel,
            grid=(ns // _TILE,),
            in_specs=[
                pl.BlockSpec((_TILE, K), lambda t: (t, 0)),
                pl.BlockSpec((K, _N_EMBED), lambda t: (0, 0)),
                pl.BlockSpec((1, _N_EMBED), lambda t: (0, 0)),
            ],
            out_specs=pl.BlockSpec((1, 1, _TILE), lambda t: (t, 0, 0)),
            out_shape=jax.ShapeDtypeStruct((ns // _TILE, 1, _TILE), jnp.int32),
        )(s_i, cluster_mean, c_norm)
        idx_slices.append(idx3)
        q128_slices.append(_sc_gather(ct, idx3.reshape(ns), ns))

    sps = ns // _MSE_TILE
    nsteps = _N_SLICES * sps

    def _qmap(j):
        return lambda t: (jnp.clip(t - j * sps, 0, sps - 1), 0)

    q, dsum = pl.pallas_call(
        functools.partial(_mse_kernel, total=n * K, steps_per_slice=sps),
        grid=(nsteps,),
        in_specs=[pl.BlockSpec((_MSE_TILE, _ROW_PAD), _qmap(j))
                  for j in range(_N_SLICES)]
        + [pl.BlockSpec((_MSE_TILE, K), lambda t: (t, 0))],
        out_specs=[
            pl.BlockSpec((_MSE_TILE, K), lambda t: (t, 0)),
            pl.BlockSpec((8, 128), lambda t: (0, 0)),
        ],
        out_shape=[
            jax.ShapeDtypeStruct((n, K), jnp.float32),
            jax.ShapeDtypeStruct((8, 128), jnp.float32),
        ],
    )(*q128_slices, samples)

    quantize = q.reshape(B, H, W, K)
    cluster_index = jnp.concatenate(
        [ix.reshape(ns) for ix in idx_slices]).reshape(B, H, W)
    return quantize, cluster_index, dsum[0, 0]

# --- scband reference (transcript-rebuilt; emitter-appended) ---
"""Pipeline reference for scband-quantize-54288386621467 (READ-ONLY COPY).

The authoritative reference and input builder live on the scoring server;
editing this copy changes nothing except your own understanding.
"""

import jax, jax.numpy as jnp
import numpy as np

EMBED_DIM = 32
N_EMBED = 8192

def setup_inputs(seed: int = 0) -> dict:
    key = jax.random.key(seed)
    k1, k2 = jax.random.split(key)
    inputs = jax.random.normal(k1, (16, 32, 32, EMBED_DIM), dtype=jnp.float32)
    cluster_mean = jax.random.normal(k2, (EMBED_DIM, N_EMBED), dtype=jnp.float32)
    return {"inputs": inputs, "cluster_mean": cluster_mean}

def reference(inputs, cluster_mean):
    # Faithful translation of Quantize.call (inference path; enable_train=False).
    embed_dim = cluster_mean.shape[0]
    B, H, W, _ = inputs.shape
    samples = jnp.reshape(inputs, (-1, embed_dim))
    dist = (jnp.sum(jnp.power(samples, 2), axis=1, keepdims=True)
            - 2.0 * jnp.matmul(samples, cluster_mean)
            + jnp.sum(jnp.power(cluster_mean, 2), axis=0, keepdims=True))
    # NOTE: original code uses argmax (kept faithful)
    cluster_index = jnp.argmax(dist, axis=1)
    # embedding lookup into transposed codebook
    quantize = jnp.take(jnp.transpose(cluster_mean), cluster_index, axis=0)
    quantize = jnp.reshape(quantize, (B, H, W, embed_dim))
    cluster_index = jnp.reshape(cluster_index, (B, H, W))
    diff = jnp.mean(jnp.power(inputs - quantize, 2))
    return (quantize, cluster_index, diff)

if __name__ == "__main__":
    import jax
    _d = setup_inputs()
    print(jax.jit(kernel)(*tuple(_d.values())))

</pallas_src>

<mosaic_0001>
#map = affine_map<(d0, d1) -> (0, 0)>
#map1 = affine_map<(d0, d1) -> (0)>
module attributes {stable_mosaic.version = 14 : i64} {
  func.func @k(%arg0: i32, %arg1: i32, %arg2: memref<8192x128xf32, #tpu.memory_space<hbm>>, %arg3: memref<2048xi32, #tpu.memory_space<hbm>>, %arg4: memref<2048x128xf32, #tpu.memory_space<hbm>>, %arg5: memref<64xi32, #tpu.memory_space<vmem>>, %arg6: memref<64x128xf32, #tpu.memory_space<vmem>>, %arg7: memref<!tpu.dma_semaphore, #tpu.memory_space<semaphore_mem>>) attributes {dimension_semantics = [#tpu.dimension_semantics<core_parallel>, #tpu.dimension_semantics<subcore_parallel>], iteration_bounds = array<i64: 2, 16>, scalar_prefetch = 0 : i64, scratch_operands = 3 : i64, tpu.core_type = #tpu.core_type<sc_vector_subcore>, window_params = [{transform_indices = #map}, {transform_indices = #map1}, {transform_indices = #map}]} {
    %mul3A = arith.constant 2 : i32
    %mul3A_0 = arith.muli %arg1, %mul3A : i32
    %add3A = arith.addi %mul3A_0, %arg0 : i32
    %mul3A_1 = arith.constant 64 : i32
    %mul3A_2 = arith.muli %add3A, %mul3A_1 : i32
    "tpu.region"() ({
      %run_scoped3A = tpu.sem_alloc : memref<!tpu.dma_semaphore, #tpu.memory_space<semaphore_mem>>
      %dma_start3A = tpu.memref_slice %arg3[%mul3A_2] : memref<2048xi32, #tpu.memory_space<hbm>> -> memref<64xi32, #tpu.memory_space<hbm>>
      %dma_start3A_3 = tpu.memref_slice %arg3[%mul3A_2] : memref<2048xi32, #tpu.memory_space<hbm>> -> memref<64xi32, #tpu.memory_space<hbm>>
      tpu.enqueue_dma source(%dma_start3A_3 : memref<64xi32, #tpu.memory_space<hbm>>) target(%arg5 : memref<64xi32, #tpu.memory_space<vmem>>) target_semaphore(%run_scoped3A : memref<!tpu.dma_semaphore, #tpu.memory_space<semaphore_mem>>)
      %dma_wait3A = tpu.memref_slice %arg3[%mul3A_2] : memref<2048xi32, #tpu.memory_space<hbm>> -> memref<64xi32, #tpu.memory_space<hbm>>
      %dma_wait3A_4 = tpu.memref_slice %arg3[%mul3A_2] : memref<2048xi32, #tpu.memory_space<hbm>> -> memref<64xi32, #tpu.memory_space<hbm>>
      tpu.wait_dma2 semaphore(%run_scoped3A : memref<!tpu.dma_semaphore, #tpu.memory_space<semaphore_mem>>) src(%dma_wait3A_4 : memref<64xi32, #tpu.memory_space<hbm>>) dst(%arg5 : memref<64xi32, #tpu.memory_space<vmem>>)
      tpu.yield
    }) : () -> ()
    "tpu.region"() ({
      %run_scoped3A = tpu.sem_alloc : memref<!tpu.dma_semaphore, #tpu.memory_space<semaphore_mem>>
      %dma_start3A = arith.constant 0 : i32
      %dma_start3A_3 = tpu.memref_slice %arg4[%mul3A_2, %dma_start3A] : memref<2048x128xf32, #tpu.memory_space<hbm>> -> memref<64x128xf32, #tpu.memory_space<hbm>>
      %dma_start3A_4 = arith.constant 0 : i32
      %dma_start3A_5 = tpu.memref_slice %arg4[%mul3A_2, %dma_start3A_4] : memref<2048x128xf32, #tpu.memory_space<hbm>> -> memref<64x128xf32, #tpu.memory_space<hbm>>
      tpu.enqueue_dma source(%arg6 : memref<64x128xf32, #tpu.memory_space<vmem>>) target(%dma_start3A_5 : memref<64x128xf32, #tpu.memory_space<hbm>>) target_semaphore(%run_scoped3A : memref<!tpu.dma_semaphore, #tpu.memory_space<semaphore_mem>>)
      %dma_wait3A = arith.constant 0 : i32
      %dma_wait3A_6 = tpu.memref_slice %arg4[%mul3A_2, %dma_wait3A] : memref<2048x128xf32, #tpu.memory_space<hbm>> -> memref<64x128xf32, #tpu.memory_space<hbm>>
      %dma_wait3A_7 = arith.constant 0 : i32
      %dma_wait3A_8 = tpu.memref_slice %arg4[%mul3A_2, %dma_wait3A_7] : memref<2048x128xf32, #tpu.memory_space<hbm>> -> memref<64x128xf32, #tpu.memory_space<hbm>>
      tpu.wait_dma2 semaphore(%run_scoped3A : memref<!tpu.dma_semaphore, #tpu.memory_space<semaphore_mem>>) src(%arg6 : memref<64x128xf32, #tpu.memory_space<vmem>>) dst(%dma_wait3A_8 : memref<64x128xf32, #tpu.memory_space<hbm>>)
      tpu.yield
    }) : () -> ()
    return
  }
}

#map = affine_map<(d0, d1) -> (0, 0)>
#map1 = affine_map<(d0, d1) -> (0)>
module attributes {stable_mosaic.version = 14 : i64} {
  func.func @k(%arg0: i32, %arg1: i32, %arg2: memref<8192x128xf32, #tpu.memory_space<hbm>>, %arg3: memref<2048xi32, #tpu.memory_space<hbm>>, %arg4: memref<2048x128xf32, #tpu.memory_space<hbm>>, %arg5: memref<64xi32, #tpu.memory_space<vmem>>, %arg6: memref<64x128xf32, #tpu.memory_space<vmem>>, %arg7: memref<!tpu.dma_semaphore, #tpu.memory_space<semaphore_mem>>) attributes {dimension_semantics = [#tpu.dimension_semantics<core_parallel>, #tpu.dimension_semantics<subcore_parallel>], iteration_bounds = array<i64: 2, 16>, scalar_prefetch = 0 : i64, scratch_operands = 3 : i64, tpu.core_type = #tpu.core_type<sc_vector_subcore>, window_params = [{transform_indices = #map}, {transform_indices = #map1}, {transform_indices = #map}]} {
    %mul3A = arith.constant 2 : i32
    %mul3A_0 = arith.muli %arg1, %mul3A : i32
    %add3A = arith.addi %mul3A_0, %arg0 : i32
    %mul3A_1 = arith.constant 64 : i32
    %mul3A_2 = arith.muli %add3A, %mul3A_1 : i32
    "tpu.region"() ({
      %run_scoped3A = tpu.sem_alloc : memref<!tpu.dma_semaphore, #tpu.memory_space<semaphore_mem>>
      %dma_start3A = tpu.memref_slice %arg3[%mul3A_2] : memref<2048xi32, #tpu.memory_space<hbm>> -> memref<64xi32, #tpu.memory_space<hbm>>
      %dma_start3A_3 = tpu.memref_slice %arg3[%mul3A_2] : memref<2048xi32, #tpu.memory_space<hbm>> -> memref<64xi32, #tpu.memory_space<hbm>>
      tpu.enqueue_dma source(%dma_start3A_3 : memref<64xi32, #tpu.memory_space<hbm>>) target(%arg5 : memref<64xi32, #tpu.memory_space<vmem>>) target_semaphore(%run_scoped3A : memref<!tpu.dma_semaphore, #tpu.memory_space<semaphore_mem>>)
      %dma_wait3A = tpu.memref_slice %arg3[%mul3A_2] : memref<2048xi32, #tpu.memory_space<hbm>> -> memref<64xi32, #tpu.memory_space<hbm>>
      %dma_wait3A_4 = tpu.memref_slice %arg3[%mul3A_2] : memref<2048xi32, #tpu.memory_space<hbm>> -> memref<64xi32, #tpu.memory_space<hbm>>
      tpu.wait_dma2 semaphore(%run_scoped3A : memref<!tpu.dma_semaphore, #tpu.memory_space<semaphore_mem>>) src(%dma_wait3A_4 : memref<64xi32, #tpu.memory_space<hbm>>) dst(%arg5 : memref<64xi32, #tpu.memory_space<vmem>>)
      tpu.yield
    }) : () -> ()
    "tpu.region"() ({
      %run_scoped3A = tpu.sem_alloc : memref<!tpu.dma_semaphore, #tpu.memory_space<semaphore_mem>>
      %dma_start3A = arith.constant 0 : i32
      %dma_start3A_3 = tpu.memref_slice %arg4[%mul3A_2, %dma_start3A] : memref<2048x128xf32, #tpu.memory_space<hbm>> -> memref<64x128xf32, #tpu.memory_space<hbm>>
      %dma_start3A_4 = arith.constant 0 : i32
      %dma_start3A_5 = tpu.memref_slice %arg4[%mul3A_2, %dma_start3A_4] : memref<2048x128xf32, #tpu.memory_space<hbm>> -> memref<64x128xf32, #tpu.memory_space<hbm>>
      tpu.enqueue_dma source(%arg6 : memref<64x128xf32, #tpu.memory_space<vmem>>) target(%dma_start3A_5 : memref<64x128xf32, #tpu.memory_space<hbm>>) target_semaphore(%run_scoped3A : memref<!tpu.dma_semaphore, #tpu.memory_space<semaphore_mem>>)
      %dma_wait3A = arith.constant 0 : i32
      %dma_wait3A_6 = tpu.memref_slice %arg4[%mul3A_2, %dma_wait3A] : memref<2048x128xf32, #tpu.memory_space<hbm>> -> memref<64x128xf32, #tpu.memory_space<hbm>>
      %dma_wait3A_7 = arith.constant 0 : i32
      %dma_wait3A_8 = tpu.memref_slice %arg4[%mul3A_2, %dma_wait3A_7] : memref<2048x128xf32, #tpu.memory_space<hbm>> -> memref<64x128xf32, #tpu.memory_space<hbm>>
      tpu.wait_dma2 semaphore(%run_scoped3A : memref<!tpu.dma_semaphore, #tpu.memory_space<semaphore_mem>>) src(%arg6 : memref<64x128xf32, #tpu.memory_space<vmem>>) dst(%dma_wait3A_8 : memref<64x128xf32, #tpu.memory_space<hbm>>)
      tpu.yield
    }) : () -> ()
    return
  }
}

#map = affine_map<(d0, d1) -> (0, 0)>
#map1 = affine_map<(d0, d1) -> (0)>
module attributes {stable_mosaic.version = 14 : i64} {
  func.func @k(%arg0: i32, %arg1: i32, %arg2: memref<8192x128xf32, #tpu.memory_space<hbm>>, %arg3: memref<2048xi32, #tpu.memory_space<hbm>>, %arg4: memref<2048x128xf32, #tpu.memory_space<hbm>>, %arg5: memref<64xi32, #tpu.memory_space<vmem>>, %arg6: memref<64x128xf32, #tpu.memory_space<vmem>>, %arg7: memref<!tpu.dma_semaphore, #tpu.memory_space<semaphore_mem>>) attributes {dimension_semantics = [#tpu.dimension_semantics<core_parallel>, #tpu.dimension_semantics<subcore_parallel>], iteration_bounds = array<i64: 2, 16>, scalar_prefetch = 0 : i64, scratch_operands = 3 : i64, tpu.core_type = #tpu.core_type<sc_vector_subcore>, window_params = [{transform_indices = #map}, {transform_indices = #map1}, {transform_indices = #map}]} {
    %mul3A = arith.constant 2 : i32
    %mul3A_0 = arith.muli %arg1, %mul3A : i32
    %add3A = arith.addi %mul3A_0, %arg0 : i32
    %mul3A_1 = arith.constant 64 : i32
    %mul3A_2 = arith.muli %add3A, %mul3A_1 : i32
    "tpu.region"() ({
      %run_scoped3A = tpu.sem_alloc : memref<!tpu.dma_semaphore, #tpu.memory_space<semaphore_mem>>
      %dma_start3A = tpu.memref_slice %arg3[%mul3A_2] : memref<2048xi32, #tpu.memory_space<hbm>> -> memref<64xi32, #tpu.memory_space<hbm>>
      %dma_start3A_3 = tpu.memref_slice %arg3[%mul3A_2] : memref<2048xi32, #tpu.memory_space<hbm>> -> memref<64xi32, #tpu.memory_space<hbm>>
      tpu.enqueue_dma source(%dma_start3A_3 : memref<64xi32, #tpu.memory_space<hbm>>) target(%arg5 : memref<64xi32, #tpu.memory_space<vmem>>) target_semaphore(%run_scoped3A : memref<!tpu.dma_semaphore, #tpu.memory_space<semaphore_mem>>)
      %dma_wait3A = tpu.memref_slice %arg3[%mul3A_2] : memref<2048xi32, #tpu.memory_space<hbm>> -> memref<64xi32, #tpu.memory_space<hbm>>
      %dma_wait3A_4 = tpu.memref_slice %arg3[%mul3A_2] : memref<2048xi32, #tpu.memory_space<hbm>> -> memref<64xi32, #tpu.memory_space<hbm>>
      tpu.wait_dma2 semaphore(%run_scoped3A : memref<!tpu.dma_semaphore, #tpu.memory_space<semaphore_mem>>) src(%dma_wait3A_4 : memref<64xi32, #tpu.memory_space<hbm>>) dst(%arg5 : memref<64xi32, #tpu.memory_space<vmem>>)
      tpu.yield
    }) : () -> ()
    "tpu.region"() ({
      %run_scoped3A = tpu.sem_alloc : memref<!tpu.dma_semaphore, #tpu.memory_space<semaphore_mem>>
      %dma_start3A = arith.constant 0 : i32
      %dma_start3A_3 = tpu.memref_slice %arg4[%mul3A_2, %dma_start3A] : memref<2048x128xf32, #tpu.memory_space<hbm>> -> memref<64x128xf32, #tpu.memory_space<hbm>>
      %dma_start3A_4 = arith.constant 0 : i32
      %dma_start3A_5 = tpu.memref_slice %arg4[%mul3A_2, %dma_start3A_4] : memref<2048x128xf32, #tpu.memory_space<hbm>> -> memref<64x128xf32, #tpu.memory_space<hbm>>
      tpu.enqueue_dma source(%arg6 : memref<64x128xf32, #tpu.memory_space<vmem>>) target(%dma_start3A_5 : memref<64x128xf32, #tpu.memory_space<hbm>>) target_semaphore(%run_scoped3A : memref<!tpu.dma_semaphore, #tpu.memory_space<semaphore_mem>>)
      %dma_wait3A = arith.constant 0 : i32
      %dma_wait3A_6 = tpu.memref_slice %arg4[%mul3A_2, %dma_wait3A] : memref<2048x128xf32, #tpu.memory_space<hbm>> -> memref<64x128xf32, #tpu.memory_space<hbm>>
      %dma_wait3A_7 = arith.constant 0 : i32
      %dma_wait3A_8 = tpu.memref_slice %arg4[%mul3A_2, %dma_wait3A_7] : memref<2048x128xf32, #tpu.memory_space<hbm>> -> memref<64x128xf32, #tpu.memory_space<hbm>>
      tpu.wait_dma2 semaphore(%run_scoped3A : memref<!tpu.dma_semaphore, #tpu.memory_space<semaphore_mem>>) src(%arg6 : memref<64x128xf32, #tpu.memory_space<vmem>>) dst(%dma_wait3A_8 : memref<64x128xf32, #tpu.memory_space<hbm>>)
      tpu.yield
    }) : () -> ()
    return
  }
}

#map = affine_map<(d0, d1) -> (0, 0)>
#map1 = affine_map<(d0, d1) -> (0)>
module attributes {stable_mosaic.version = 14 : i64} {
  func.func @k(%arg0: i32, %arg1: i32, %arg2: memref<8192x128xf32, #tpu.memory_space<hbm>>, %arg3: memref<2048xi32, #tpu.memory_space<hbm>>, %arg4: memref<2048x128xf32, #tpu.memory_space<hbm>>, %arg5: memref<64xi32, #tpu.memory_space<vmem>>, %arg6: memref<64x128xf32, #tpu.memory_space<vmem>>, %arg7: memref<!tpu.dma_semaphore, #tpu.memory_space<semaphore_mem>>) attributes {dimension_semantics = [#tpu.dimension_semantics<core_parallel>, #tpu.dimension_semantics<subcore_parallel>], iteration_bounds = array<i64: 2, 16>, scalar_prefetch = 0 : i64, scratch_operands = 3 : i64, tpu.core_type = #tpu.core_type<sc_vector_subcore>, window_params = [{transform_indices = #map}, {transform_indices = #map1}, {transform_indices = #map}]} {
    %mul3A = arith.constant 2 : i32
    %mul3A_0 = arith.muli %arg1, %mul3A : i32
    %add3A = arith.addi %mul3A_0, %arg0 : i32
    %mul3A_1 = arith.constant 64 : i32
    %mul3A_2 = arith.muli %add3A, %mul3A_1 : i32
    "tpu.region"() ({
      %run_scoped3A = tpu.sem_alloc : memref<!tpu.dma_semaphore, #tpu.memory_space<semaphore_mem>>
      %dma_start3A = tpu.memref_slice %arg3[%mul3A_2] : memref<2048xi32, #tpu.memory_space<hbm>> -> memref<64xi32, #tpu.memory_space<hbm>>
      %dma_start3A_3 = tpu.memref_slice %arg3[%mul3A_2] : memref<2048xi32, #tpu.memory_space<hbm>> -> memref<64xi32, #tpu.memory_space<hbm>>
      tpu.enqueue_dma source(%dma_start3A_3 : memref<64xi32, #tpu.memory_space<hbm>>) target(%arg5 : memref<64xi32, #tpu.memory_space<vmem>>) target_semaphore(%run_scoped3A : memref<!tpu.dma_semaphore, #tpu.memory_space<semaphore_mem>>)
      %dma_wait3A = tpu.memref_slice %arg3[%mul3A_2] : memref<2048xi32, #tpu.memory_space<hbm>> -> memref<64xi32, #tpu.memory_space<hbm>>
      %dma_wait3A_4 = tpu.memref_slice %arg3[%mul3A_2] : memref<2048xi32, #tpu.memory_space<hbm>> -> memref<64xi32, #tpu.memory_space<hbm>>
      tpu.wait_dma2 semaphore(%run_scoped3A : memref<!tpu.dma_semaphore, #tpu.memory_space<semaphore_mem>>) src(%dma_wait3A_4 : memref<64xi32, #tpu.memory_space<hbm>>) dst(%arg5 : memref<64xi32, #tpu.memory_space<vmem>>)
      tpu.yield
    }) : () -> ()
    "tpu.region"() ({
      %run_scoped3A = tpu.sem_alloc : memref<!tpu.dma_semaphore, #tpu.memory_space<semaphore_mem>>
      %dma_start3A = arith.constant 0 : i32
      %dma_start3A_3 = tpu.memref_slice %arg4[%mul3A_2, %dma_start3A] : memref<2048x128xf32, #tpu.memory_space<hbm>> -> memref<64x128xf32, #tpu.memory_space<hbm>>
      %dma_start3A_4 = arith.constant 0 : i32
      %dma_start3A_5 = tpu.memref_slice %arg4[%mul3A_2, %dma_start3A_4] : memref<2048x128xf32, #tpu.memory_space<hbm>> -> memref<64x128xf32, #tpu.memory_space<hbm>>
      tpu.enqueue_dma source(%arg6 : memref<64x128xf32, #tpu.memory_space<vmem>>) target(%dma_start3A_5 : memref<64x128xf32, #tpu.memory_space<hbm>>) target_semaphore(%run_scoped3A : memref<!tpu.dma_semaphore, #tpu.memory_space<semaphore_mem>>)
      %dma_wait3A = arith.constant 0 : i32
      %dma_wait3A_6 = tpu.memref_slice %arg4[%mul3A_2, %dma_wait3A] : memref<2048x128xf32, #tpu.memory_space<hbm>> -> memref<64x128xf32, #tpu.memory_space<hbm>>
      %dma_wait3A_7 = arith.constant 0 : i32
      %dma_wait3A_8 = tpu.memref_slice %arg4[%mul3A_2, %dma_wait3A_7] : memref<2048x128xf32, #tpu.memory_space<hbm>> -> memref<64x128xf32, #tpu.memory_space<hbm>>
      tpu.wait_dma2 semaphore(%run_scoped3A : memref<!tpu.dma_semaphore, #tpu.memory_space<semaphore_mem>>) src(%arg6 : memref<64x128xf32, #tpu.memory_space<vmem>>) dst(%dma_wait3A_8 : memref<64x128xf32, #tpu.memory_space<hbm>>)
      tpu.yield
    }) : () -> ()
    return
  }
}

#map = affine_map<(d0, d1) -> (0, 0)>
#map1 = affine_map<(d0, d1) -> (0)>
module attributes {stable_mosaic.version = 14 : i64} {
  func.func @k(%arg0: i32, %arg1: i32, %arg2: memref<8192x128xf32, #tpu.memory_space<hbm>>, %arg3: memref<2048xi32, #tpu.memory_space<hbm>>, %arg4: memref<2048x128xf32, #tpu.memory_space<hbm>>, %arg5: memref<64xi32, #tpu.memory_space<vmem>>, %arg6: memref<64x128xf32, #tpu.memory_space<vmem>>, %arg7: memref<!tpu.dma_semaphore, #tpu.memory_space<semaphore_mem>>) attributes {dimension_semantics = [#tpu.dimension_semantics<core_parallel>, #tpu.dimension_semantics<subcore_parallel>], iteration_bounds = array<i64: 2, 16>, scalar_prefetch = 0 : i64, scratch_operands = 3 : i64, tpu.core_type = #tpu.core_type<sc_vector_subcore>, window_params = [{transform_indices = #map}, {transform_indices = #map1}, {transform_indices = #map}]} {
    %mul3A = arith.constant 2 : i32
    %mul3A_0 = arith.muli %arg1, %mul3A : i32
    %add3A = arith.addi %mul3A_0, %arg0 : i32
    %mul3A_1 = arith.constant 64 : i32
    %mul3A_2 = arith.muli %add3A, %mul3A_1 : i32
    "tpu.region"() ({
      %run_scoped3A = tpu.sem_alloc : memref<!tpu.dma_semaphore, #tpu.memory_space<semaphore_mem>>
      %dma_start3A = tpu.memref_slice %arg3[%mul3A_2] : memref<2048xi32, #tpu.memory_space<hbm>> -> memref<64xi32, #tpu.memory_space<hbm>>
      %dma_start3A_3 = tpu.memref_slice %arg3[%mul3A_2] : memref<2048xi32, #tpu.memory_space<hbm>> -> memref<64xi32, #tpu.memory_space<hbm>>
      tpu.enqueue_dma source(%dma_start3A_3 : memref<64xi32, #tpu.memory_space<hbm>>) target(%arg5 : memref<64xi32, #tpu.memory_space<vmem>>) target_semaphore(%run_scoped3A : memref<!tpu.dma_semaphore, #tpu.memory_space<semaphore_mem>>)
      %dma_wait3A = tpu.memref_slice %arg3[%mul3A_2] : memref<2048xi32, #tpu.memory_space<hbm>> -> memref<64xi32, #tpu.memory_space<hbm>>
      %dma_wait3A_4 = tpu.memref_slice %arg3[%mul3A_2] : memref<2048xi32, #tpu.memory_space<hbm>> -> memref<64xi32, #tpu.memory_space<hbm>>
      tpu.wait_dma2 semaphore(%run_scoped3A : memref<!tpu.dma_semaphore, #tpu.memory_space<semaphore_mem>>) src(%dma_wait3A_4 : memref<64xi32, #tpu.memory_space<hbm>>) dst(%arg5 : memref<64xi32, #tpu.memory_space<vmem>>)
      tpu.yield
    }) : () -> ()
    "tpu.region"() ({
      %run_scoped3A = tpu.sem_alloc : memref<!tpu.dma_semaphore, #tpu.memory_space<semaphore_mem>>
      %dma_start3A = arith.constant 0 : i32
      %dma_start3A_3 = tpu.memref_slice %arg4[%mul3A_2, %dma_start3A] : memref<2048x128xf32, #tpu.memory_space<hbm>> -> memref<64x128xf32, #tpu.memory_space<hbm>>
      %dma_start3A_4 = arith.constant 0 : i32
      %dma_start3A_5 = tpu.memref_slice %arg4[%mul3A_2, %dma_start3A_4] : memref<2048x128xf32, #tpu.memory_space<hbm>> -> memref<64x128xf32, #tpu.memory_space<hbm>>
      tpu.enqueue_dma source(%arg6 : memref<64x128xf32, #tpu.memory_space<vmem>>) target(%dma_start3A_5 : memref<64x128xf32, #tpu.memory_space<hbm>>) target_semaphore(%run_scoped3A : memref<!tpu.dma_semaphore, #tpu.memory_space<semaphore_mem>>)
      %dma_wait3A = arith.constant 0 : i32
      %dma_wait3A_6 = tpu.memref_slice %arg4[%mul3A_2, %dma_wait3A] : memref<2048x128xf32, #tpu.memory_space<hbm>> -> memref<64x128xf32, #tpu.memory_space<hbm>>
      %dma_wait3A_7 = arith.constant 0 : i32
      %dma_wait3A_8 = tpu.memref_slice %arg4[%mul3A_2, %dma_wait3A_7] : memref<2048x128xf32, #tpu.memory_space<hbm>> -> memref<64x128xf32, #tpu.memory_space<hbm>>
      tpu.wait_dma2 semaphore(%run_scoped3A : memref<!tpu.dma_semaphore, #tpu.memory_space<semaphore_mem>>) src(%arg6 : memref<64x128xf32, #tpu.memory_space<vmem>>) dst(%dma_wait3A_8 : memref<64x128xf32, #tpu.memory_space<hbm>>)
      tpu.yield
    }) : () -> ()
    return
  }
}

#map = affine_map<(d0, d1) -> (0, 0)>
#map1 = affine_map<(d0, d1) -> (0)>
module attributes {stable_mosaic.version = 14 : i64} {
  func.func @k(%arg0: i32, %arg1: i32, %arg2: memref<8192x128xf32, #tpu.memory_space<hbm>>, %arg3: memref<2048xi32, #tpu.memory_space<hbm>>, %arg4: memref<2048x128xf32, #tpu.memory_space<hbm>>, %arg5: memref<64xi32, #tpu.memory_space<vmem>>, %arg6: memref<64x128xf32, #tpu.memory_space<vmem>>, %arg7: memref<!tpu.dma_semaphore, #tpu.memory_space<semaphore_mem>>) attributes {dimension_semantics = [#tpu.dimension_semantics<core_parallel>, #tpu.dimension_semantics<subcore_parallel>], iteration_bounds = array<i64: 2, 16>, scalar_prefetch = 0 : i64, scratch_operands = 3 : i64, tpu.core_type = #tpu.core_type<sc_vector_subcore>, window_params = [{transform_indices = #map}, {transform_indices = #map1}, {transform_indices = #map}]} {
    %mul3A = arith.constant 2 : i32
    %mul3A_0 = arith.muli %arg1, %mul3A : i32
    %add3A = arith.addi %mul3A_0, %arg0 : i32
    %mul3A_1 = arith.constant 64 : i32
    %mul3A_2 = arith.muli %add3A, %mul3A_1 : i32
    "tpu.region"() ({
      %run_scoped3A = tpu.sem_alloc : memref<!tpu.dma_semaphore, #tpu.memory_space<semaphore_mem>>
      %dma_start3A = tpu.memref_slice %arg3[%mul3A_2] : memref<2048xi32, #tpu.memory_space<hbm>> -> memref<64xi32, #tpu.memory_space<hbm>>
      %dma_start3A_3 = tpu.memref_slice %arg3[%mul3A_2] : memref<2048xi32, #tpu.memory_space<hbm>> -> memref<64xi32, #tpu.memory_space<hbm>>
      tpu.enqueue_dma source(%dma_start3A_3 : memref<64xi32, #tpu.memory_space<hbm>>) target(%arg5 : memref<64xi32, #tpu.memory_space<vmem>>) target_semaphore(%run_scoped3A : memref<!tpu.dma_semaphore, #tpu.memory_space<semaphore_mem>>)
      %dma_wait3A = tpu.memref_slice %arg3[%mul3A_2] : memref<2048xi32, #tpu.memory_space<hbm>> -> memref<64xi32, #tpu.memory_space<hbm>>
      %dma_wait3A_4 = tpu.memref_slice %arg3[%mul3A_2] : memref<2048xi32, #tpu.memory_space<hbm>> -> memref<64xi32, #tpu.memory_space<hbm>>
      tpu.wait_dma2 semaphore(%run_scoped3A : memref<!tpu.dma_semaphore, #tpu.memory_space<semaphore_mem>>) src(%dma_wait3A_4 : memref<64xi32, #tpu.memory_space<hbm>>) dst(%arg5 : memref<64xi32, #tpu.memory_space<vmem>>)
      tpu.yield
    }) : () -> ()
    "tpu.region"() ({
      %run_scoped3A = tpu.sem_alloc : memref<!tpu.dma_semaphore, #tpu.memory_space<semaphore_mem>>
      %dma_start3A = arith.constant 0 : i32
      %dma_start3A_3 = tpu.memref_slice %arg4[%mul3A_2, %dma_start3A] : memref<2048x128xf32, #tpu.memory_space<hbm>> -> memref<64x128xf32, #tpu.memory_space<hbm>>
      %dma_start3A_4 = arith.constant 0 : i32
      %dma_start3A_5 = tpu.memref_slice %arg4[%mul3A_2, %dma_start3A_4] : memref<2048x128xf32, #tpu.memory_space<hbm>> -> memref<64x128xf32, #tpu.memory_space<hbm>>
      tpu.enqueue_dma source(%arg6 : memref<64x128xf32, #tpu.memory_space<vmem>>) target(%dma_start3A_5 : memref<64x128xf32, #tpu.memory_space<hbm>>) target_semaphore(%run_scoped3A : memref<!tpu.dma_semaphore, #tpu.memory_space<semaphore_mem>>)
      %dma_wait3A = arith.constant 0 : i32
      %dma_wait3A_6 = tpu.memref_slice %arg4[%mul3A_2, %dma_wait3A] : memref<2048x128xf32, #tpu.memory_space<hbm>> -> memref<64x128xf32, #tpu.memory_space<hbm>>
      %dma_wait3A_7 = arith.constant 0 : i32
      %dma_wait3A_8 = tpu.memref_slice %arg4[%mul3A_2, %dma_wait3A_7] : memref<2048x128xf32, #tpu.memory_space<hbm>> -> memref<64x128xf32, #tpu.memory_space<hbm>>
      tpu.wait_dma2 semaphore(%run_scoped3A : memref<!tpu.dma_semaphore, #tpu.memory_space<semaphore_mem>>) src(%arg6 : memref<64x128xf32, #tpu.memory_space<vmem>>) dst(%dma_wait3A_8 : memref<64x128xf32, #tpu.memory_space<hbm>>)
      tpu.yield
    }) : () -> ()
    return
  }
}

#map = affine_map<(d0, d1) -> (0, 0)>
#map1 = affine_map<(d0, d1) -> (0)>
module attributes {stable_mosaic.version = 14 : i64} {
  func.func @k(%arg0: i32, %arg1: i32, %arg2: memref<8192x128xf32, #tpu.memory_space<hbm>>, %arg3: memref<2048xi32, #tpu.memory_space<hbm>>, %arg4: memref<2048x128xf32, #tpu.memory_space<hbm>>, %arg5: memref<64xi32, #tpu.memory_space<vmem>>, %arg6: memref<64x128xf32, #tpu.memory_space<vmem>>, %arg7: memref<!tpu.dma_semaphore, #tpu.memory_space<semaphore_mem>>) attributes {dimension_semantics = [#tpu.dimension_semantics<core_parallel>, #tpu.dimension_semantics<subcore_parallel>], iteration_bounds = array<i64: 2, 16>, scalar_prefetch = 0 : i64, scratch_operands = 3 : i64, tpu.core_type = #tpu.core_type<sc_vector_subcore>, window_params = [{transform_indices = #map}, {transform_indices = #map1}, {transform_indices = #map}]} {
    %mul3A = arith.constant 2 : i32
    %mul3A_0 = arith.muli %arg1, %mul3A : i32
    %add3A = arith.addi %mul3A_0, %arg0 : i32
    %mul3A_1 = arith.constant 64 : i32
    %mul3A_2 = arith.muli %add3A, %mul3A_1 : i32
    "tpu.region"() ({
      %run_scoped3A = tpu.sem_alloc : memref<!tpu.dma_semaphore, #tpu.memory_space<semaphore_mem>>
      %dma_start3A = tpu.memref_slice %arg3[%mul3A_2] : memref<2048xi32, #tpu.memory_space<hbm>> -> memref<64xi32, #tpu.memory_space<hbm>>
      %dma_start3A_3 = tpu.memref_slice %arg3[%mul3A_2] : memref<2048xi32, #tpu.memory_space<hbm>> -> memref<64xi32, #tpu.memory_space<hbm>>
      tpu.enqueue_dma source(%dma_start3A_3 : memref<64xi32, #tpu.memory_space<hbm>>) target(%arg5 : memref<64xi32, #tpu.memory_space<vmem>>) target_semaphore(%run_scoped3A : memref<!tpu.dma_semaphore, #tpu.memory_space<semaphore_mem>>)
      %dma_wait3A = tpu.memref_slice %arg3[%mul3A_2] : memref<2048xi32, #tpu.memory_space<hbm>> -> memref<64xi32, #tpu.memory_space<hbm>>
      %dma_wait3A_4 = tpu.memref_slice %arg3[%mul3A_2] : memref<2048xi32, #tpu.memory_space<hbm>> -> memref<64xi32, #tpu.memory_space<hbm>>
      tpu.wait_dma2 semaphore(%run_scoped3A : memref<!tpu.dma_semaphore, #tpu.memory_space<semaphore_mem>>) src(%dma_wait3A_4 : memref<64xi32, #tpu.memory_space<hbm>>) dst(%arg5 : memref<64xi32, #tpu.memory_space<vmem>>)
      tpu.yield
    }) : () -> ()
    "tpu.region"() ({
      %run_scoped3A = tpu.sem_alloc : memref<!tpu.dma_semaphore, #tpu.memory_space<semaphore_mem>>
      %dma_start3A = arith.constant 0 : i32
      %dma_start3A_3 = tpu.memref_slice %arg4[%mul3A_2, %dma_start3A] : memref<2048x128xf32, #tpu.memory_space<hbm>> -> memref<64x128xf32, #tpu.memory_space<hbm>>
      %dma_start3A_4 = arith.constant 0 : i32
      %dma_start3A_5 = tpu.memref_slice %arg4[%mul3A_2, %dma_start3A_4] : memref<2048x128xf32, #tpu.memory_space<hbm>> -> memref<64x128xf32, #tpu.memory_space<hbm>>
      tpu.enqueue_dma source(%arg6 : memref<64x128xf32, #tpu.memory_space<vmem>>) target(%dma_start3A_5 : memref<64x128xf32, #tpu.memory_space<hbm>>) target_semaphore(%run_scoped3A : memref<!tpu.dma_semaphore, #tpu.memory_space<semaphore_mem>>)
      %dma_wait3A = arith.constant 0 : i32
      %dma_wait3A_6 = tpu.memref_slice %arg4[%mul3A_2, %dma_wait3A] : memref<2048x128xf32, #tpu.memory_space<hbm>> -> memref<64x128xf32, #tpu.memory_space<hbm>>
      %dma_wait3A_7 = arith.constant 0 : i32
      %dma_wait3A_8 = tpu.memref_slice %arg4[%mul3A_2, %dma_wait3A_7] : memref<2048x128xf32, #tpu.memory_space<hbm>> -> memref<64x128xf32, #tpu.memory_space<hbm>>
      tpu.wait_dma2 semaphore(%run_scoped3A : memref<!tpu.dma_semaphore, #tpu.memory_space<semaphore_mem>>) src(%arg6 : memref<64x128xf32, #tpu.memory_space<vmem>>) dst(%dma_wait3A_8 : memref<64x128xf32, #tpu.memory_space<hbm>>)
      tpu.yield
    }) : () -> ()
    return
  }
}

#map = affine_map<(d0, d1) -> (0, 0)>
#map1 = affine_map<(d0, d1) -> (0)>
module attributes {stable_mosaic.version = 14 : i64} {
  func.func @k(%arg0: i32, %arg1: i32, %arg2: memref<8192x128xf32, #tpu.memory_space<hbm>>, %arg3: memref<2048xi32, #tpu.memory_space<hbm>>, %arg4: memref<2048x128xf32, #tpu.memory_space<hbm>>, %arg5: memref<64xi32, #tpu.memory_space<vmem>>, %arg6: memref<64x128xf32, #tpu.memory_space<vmem>>, %arg7: memref<!tpu.dma_semaphore, #tpu.memory_space<semaphore_mem>>) attributes {dimension_semantics = [#tpu.dimension_semantics<core_parallel>, #tpu.dimension_semantics<subcore_parallel>], iteration_bounds = array<i64: 2, 16>, scalar_prefetch = 0 : i64, scratch_operands = 3 : i64, tpu.core_type = #tpu.core_type<sc_vector_subcore>, window_params = [{transform_indices = #map}, {transform_indices = #map1}, {transform_indices = #map}]} {
    %mul3A = arith.constant 2 : i32
    %mul3A_0 = arith.muli %arg1, %mul3A : i32
    %add3A = arith.addi %mul3A_0, %arg0 : i32
    %mul3A_1 = arith.constant 64 : i32
    %mul3A_2 = arith.muli %add3A, %mul3A_1 : i32
    "tpu.region"() ({
      %run_scoped3A = tpu.sem_alloc : memref<!tpu.dma_semaphore, #tpu.memory_space<semaphore_mem>>
      %dma_start3A = tpu.memref_slice %arg3[%mul3A_2] : memref<2048xi32, #tpu.memory_space<hbm>> -> memref<64xi32, #tpu.memory_space<hbm>>
      %dma_start3A_3 = tpu.memref_slice %arg3[%mul3A_2] : memref<2048xi32, #tpu.memory_space<hbm>> -> memref<64xi32, #tpu.memory_space<hbm>>
      tpu.enqueue_dma source(%dma_start3A_3 : memref<64xi32, #tpu.memory_space<hbm>>) target(%arg5 : memref<64xi32, #tpu.memory_space<vmem>>) target_semaphore(%run_scoped3A : memref<!tpu.dma_semaphore, #tpu.memory_space<semaphore_mem>>)
      %dma_wait3A = tpu.memref_slice %arg3[%mul3A_2] : memref<2048xi32, #tpu.memory_space<hbm>> -> memref<64xi32, #tpu.memory_space<hbm>>
      %dma_wait3A_4 = tpu.memref_slice %arg3[%mul3A_2] : memref<2048xi32, #tpu.memory_space<hbm>> -> memref<64xi32, #tpu.memory_space<hbm>>
      tpu.wait_dma2 semaphore(%run_scoped3A : memref<!tpu.dma_semaphore, #tpu.memory_space<semaphore_mem>>) src(%dma_wait3A_4 : memref<64xi32, #tpu.memory_space<hbm>>) dst(%arg5 : memref<64xi32, #tpu.memory_space<vmem>>)
      tpu.yield
    }) : () -> ()
    "tpu.region"() ({
      %run_scoped3A = tpu.sem_alloc : memref<!tpu.dma_semaphore, #tpu.memory_space<semaphore_mem>>
      %dma_start3A = arith.constant 0 : i32
      %dma_start3A_3 = tpu.memref_slice %arg4[%mul3A_2, %dma_start3A] : memref<2048x128xf32, #tpu.memory_space<hbm>> -> memref<64x128xf32, #tpu.memory_space<hbm>>
      %dma_start3A_4 = arith.constant 0 : i32
      %dma_start3A_5 = tpu.memref_slice %arg4[%mul3A_2, %dma_start3A_4] : memref<2048x128xf32, #tpu.memory_space<hbm>> -> memref<64x128xf32, #tpu.memory_space<hbm>>
      tpu.enqueue_dma source(%arg6 : memref<64x128xf32, #tpu.memory_space<vmem>>) target(%dma_start3A_5 : memref<64x128xf32, #tpu.memory_space<hbm>>) target_semaphore(%run_scoped3A : memref<!tpu.dma_semaphore, #tpu.memory_space<semaphore_mem>>)
      %dma_wait3A = arith.constant 0 : i32
      %dma_wait3A_6 = tpu.memref_slice %arg4[%mul3A_2, %dma_wait3A] : memref<2048x128xf32, #tpu.memory_space<hbm>> -> memref<64x128xf32, #tpu.memory_space<hbm>>
      %dma_wait3A_7 = arith.constant 0 : i32
      %dma_wait3A_8 = tpu.memref_slice %arg4[%mul3A_2, %dma_wait3A_7] : memref<2048x128xf32, #tpu.memory_space<hbm>> -> memref<64x128xf32, #tpu.memory_space<hbm>>
      tpu.wait_dma2 semaphore(%run_scoped3A : memref<!tpu.dma_semaphore, #tpu.memory_space<semaphore_mem>>) src(%arg6 : memref<64x128xf32, #tpu.memory_space<vmem>>) dst(%dma_wait3A_8 : memref<64x128xf32, #tpu.memory_space<hbm>>)
      tpu.yield
    }) : () -> ()
    return
  }
}

module attributes {stable_mosaic.version = 14 : i64} {
  func.func @_prep_kernel(%arg0: memref<32x8192xf32, #tpu.memory_space<vmem>>, %arg1: memref<8192x128xf32, #tpu.memory_space<vmem>>, %arg2: memref<1x8192xf32, #tpu.memory_space<vmem>>) attributes {dimension_semantics = [], scalar_prefetch = 0 : i64, scratch_operands = 0 : i64, tpu.core_type = #tpu.core_type<tc>} {
    %get3A = arith.constant 0 : index
    %get3A_0 = arith.constant 0 : index
    %get3A_1 = vector.load %arg0[%get3A, %get3A_0] : memref<32x8192xf32, #tpu.memory_space<vmem>>, vector<32x8192xf32>
    %transpose3A = tpu.transpose %get3A_1, [1, 0] : vector<32x8192xf32> -> vector<8192x32xf32>
    %broadcast_in_dim3A = arith.constant 0.000000e+00 : f32
    %broadcast_in_dim3A_2 = vector.broadcast %broadcast_in_dim3A : f32 to vector<8192x96xf32>
    %concatenate3A = tpu.concatenate %transpose3A, %broadcast_in_dim3A_2 in 1 : vector<8192x32xf32>, vector<8192x96xf32> -> vector<8192x128xf32>
    %swap3A = arith.constant 0 : index
    %swap3A_3 = arith.constant 0 : index
    %swap3A_4 = vector.load %arg1[%swap3A, %swap3A_3] : memref<8192x128xf32, #tpu.memory_space<vmem>>, vector<8192x128xf32>
    tpu.vector_store %arg1[%swap3A, %swap3A_3], %concatenate3A {strides = array<i32>} : memref<8192x128xf32, #tpu.memory_space<vmem>>, vector<8192x128xf32>,
    %mul3A = arith.mulf %get3A_1, %get3A_1 : vector<32x8192xf32>
    %reduce_sum3A = arith.constant dense<0.000000e+00> : vector<8192xf32>
    %reduce_sum3A_5 = vector.multi_reduction <add>, %mul3A, %reduce_sum3A [0] : vector<32x8192xf32> to vector<8192xf32>
    %broadcast_in_dim3A_6 = vector.shape_cast %reduce_sum3A_5 : vector<8192xf32> to vector<1x8192xf32>
    %swap3A_7 = arith.constant 0 : index
    %swap3A_8 = arith.constant 0 : index
    %swap3A_9 = vector.load %arg2[%swap3A_7, %swap3A_8] : memref<1x8192xf32, #tpu.memory_space<vmem>>, vector<1x8192xf32>
    tpu.vector_store %arg2[%swap3A_7, %swap3A_8], %broadcast_in_dim3A_6 {strides = array<i32>} : memref<1x8192xf32, #tpu.memory_space<vmem>>, vector<1x8192xf32>,
    return
  }
}

module attributes {stable_mosaic.version = 14 : i64} {
  func.func @_dist_argmax_kernel(%arg0: i32, %arg1: memref<512x32xf32, #tpu.memory_space<vmem>>, %arg2: memref<32x8192xf32, #tpu.memory_space<vmem>>, %arg3: memref<1x8192xf32, #tpu.memory_space<vmem>>, %arg4: memref<1x1x512xi32, #tpu.memory_space<vmem>>) attributes {dimension_semantics = [#tpu.dimension_semantics<arbitrary>], iteration_bounds = array<i64: 4>, scalar_prefetch = 0 : i64, scratch_operands = 0 : i64, tpu.core_type = #tpu.core_type<tc>, window_params = [{transform_indices = @transform_0, window_bounds = array<i64: 512, 32>}, {pipeline_mode = #tpu.pipeline_mode<synchronous>, transform_indices = @transform_1, window_bounds = array<i64: 32, 8192>}, {pipeline_mode = #tpu.pipeline_mode<synchronous>, transform_indices = @transform_2, window_bounds = array<i64: 1, 8192>}, {transform_indices = @transform_3, window_bounds = array<i64: 1, 1, 512>}]} {
    %get3A = arith.constant 0 : index
    %get3A_0 = arith.constant 0 : index
    %get3A_1 = vector.load %arg1[%get3A, %get3A_0] : memref<512x32xf32, #tpu.memory_space<vmem>>, vector<512x32xf32>
    %get3A_2 = arith.constant 0 : index
    %get3A_3 = arith.constant 0 : index
    %get3A_4 = vector.load %arg2[%get3A_2, %get3A_3] : memref<32x8192xf32, #tpu.memory_space<vmem>>, vector<32x8192xf32>
    %mul3A = arith.mulf %get3A_1, %get3A_1 : vector<512x32xf32>
    %reduce_sum3A = arith.constant dense<0.000000e+00> : vector<512xf32>
    %reduce_sum3A_5 = vector.multi_reduction <add>, %mul3A, %reduce_sum3A [1] : vector<512x32xf32> to vector<512xf32>
    %broadcast_in_dim3A = vector.shape_cast %reduce_sum3A_5 : vector<512xf32> to vector<512x1xf32>
    %mul3A_6 = arith.constant -2.000000e+00 : f32
    %mul3A_7 = vector.broadcast %mul3A_6 : f32 to vector<512x32xf32>
    %mul3A_8 = arith.mulf %mul3A_7, %get3A_1 : vector<512x32xf32>
    %dot_general3A = arith.constant dense<0.000000e+00> : vector<512x8192xf32>
    %dot_general3A_9 = tpu.matmul %mul3A_8, %get3A_4, %dot_general3A {dimension_numbers = #tpu.dot_dimension_numbers<[1], [0], [0], [1], [0, 0, 1, 1], [], []>, transpose_lhs_hint = false} : vector<512x32xf32>, vector<32x8192xf32>, vector<512x8192xf32> -> vector<512x8192xf32>
    %add3A = vector.broadcast %broadcast_in_dim3A : vector<512x1xf32> to vector<512x8192xf32>
    %add3A_10 = arith.addf %add3A, %dot_general3A_9 : vector<512x8192xf32>
    %get3A_11 = arith.constant 0 : index
    %get3A_12 = arith.constant 0 : index
    %get3A_13 = vector.load %arg3[%get3A_11, %get3A_12] : memref<1x8192xf32, #tpu.memory_space<vmem>>, vector<1x8192xf32>
    %add3A_14 = vector.broadcast %get3A_13 : vector<1x8192xf32> to vector<512x8192xf32>
    %add3A_15 = arith.addf %add3A_10, %add3A_14 : vector<512x8192xf32>
    %argmax3A = tpu.reduce_index %add3A_15 {axis = 1 : i32, kind = #tpu.reduction_kind<arg_max>} : vector<512x8192xf32> -> vector<512xi32>
    %reshape3A = vector.shape_cast %argmax3A : vector<512xi32> to vector<1x1x512xi32>
    %swap3A = arith.constant 0 : index
    %swap3A_16 = arith.constant 0 : index
    %swap3A_17 = arith.constant 0 : index
    %swap3A_18 = vector.load %arg4[%swap3A, %swap3A_16, %swap3A_17] : memref<1x1x512xi32, #tpu.memory_space<vmem>>, vector<1x1x512xi32>
    tpu.vector_store %arg4[%swap3A, %swap3A_16, %swap3A_17], %reshape3A {strides = array<i32>} : memref<1x1x512xi32, #tpu.memory_space<vmem>>, vector<1x1x512xi32>,
    return
  }
  func.func @transform_0(%arg0: i32) -> (i32, i32) {
    %c0_i32 = arith.constant 0 : i32
    %c0_i32_0 = arith.constant 0 : i32
    return %arg0, %c0_i32 : i32, i32
  }
  func.func @transform_1(%arg0: i32) -> (i32, i32) {
    %c0_i32 = arith.constant 0 : i32
    %c0_i32_0 = arith.constant 0 : i32
    %c0_i32_1 = arith.constant 0 : i32
    return %c0_i32, %c0_i32_0 : i32, i32
  }
  func.func @transform_2(%arg0: i32) -> (i32, i32) {
    %c0_i32 = arith.constant 0 : i32
    %c0_i32_0 = arith.constant 0 : i32
    %c0_i32_1 = arith.constant 0 : i32
    return %c0_i32, %c0_i32_0 : i32, i32
  }
  func.func @transform_3(%arg0: i32) -> (i32, i32, i32) {
    %c0_i32 = arith.constant 0 : i32
    %c0_i32_0 = arith.constant 0 : i32
    %c0_i32_1 = arith.constant 0 : i32
    return %arg0, %c0_i32, %c0_i32_0 : i32, i32, i32
  }
}

module attributes {stable_mosaic.version = 14 : i64} {
  func.func @_mse_kernel(%arg0: i32, %arg1: memref<2048x128xf32, #tpu.memory_space<vmem>>, %arg2: memref<2048x128xf32, #tpu.memory_space<vmem>>, %arg3: memref<2048x128xf32, #tpu.memory_space<vmem>>, %arg4: memref<2048x128xf32, #tpu.memory_space<vmem>>, %arg5: memref<2048x128xf32, #tpu.memory_space<vmem>>, %arg6: memref<2048x128xf32, #tpu.memory_space<vmem>>, %arg7: memref<2048x128xf32, #tpu.memory_space<vmem>>, %arg8: memref<2048x128xf32, #tpu.memory_space<vmem>>, %arg9: memref<2048x32xf32, #tpu.memory_space<vmem>>, %arg10: memref<2048x32xf32, #tpu.memory_space<vmem>>, %arg11: memref<8x128xf32, #tpu.memory_space<vmem>>) attributes {dimension_semantics = [#tpu.dimension_semantics<arbitrary>], iteration_bounds = array<i64: 8>, scalar_prefetch = 0 : i64, scratch_operands = 0 : i64, tpu.core_type = #tpu.core_type<tc>, window_params = [{transform_indices = @transform_0, window_bounds = array<i64: 2048, 128>}, {transform_indices = @transform_1, window_bounds = array<i64: 2048, 128>}, {transform_indices = @transform_2, window_bounds = array<i64: 2048, 128>}, {transform_indices = @transform_3, window_bounds = array<i64: 2048, 128>}, {transform_indices = @transform_4, window_bounds = array<i64: 2048, 128>}, {transform_indices = @transform_5, window_bounds = array<i64: 2048, 128>}, {transform_indices = @transform_6, window_bounds = array<i64: 2048, 128>}, {transform_indices = @transform_7, window_bounds = array<i64: 2048, 128>}, {transform_indices = @transform_8, window_bounds = array<i64: 2048, 32>}, {transform_indices = @transform_9, window_bounds = array<i64: 2048, 32>}, {pipeline_mode = #tpu.pipeline_mode<synchronous>, transform_indices = @transform_10, window_bounds = array<i64: 8, 128>}]} {
    %eq3A = arith.constant 0 : i32
    %eq3A_0 = arith.cmpi eq, %arg0, %eq3A : i32
    %convert_element_type3A = arith.extui %eq3A_0 : i1 to i32
    %cond3A = arith.constant 0 : i32
    %cond3A_1 = arith.cmpi ne, %convert_element_type3A, %cond3A : i32
    scf.if %cond3A_1 {
      %broadcast_in_dim3A = arith.constant 0.000000e+00 : f32
      %broadcast_in_dim3A_68 = vector.broadcast %broadcast_in_dim3A : f32 to vector<8x128xf32>
      %swap3A = arith.constant 0 : index
      %swap3A_69 = arith.constant 0 : index
      %swap3A_70 = vector.load %arg11[%swap3A, %swap3A_69] : memref<8x128xf32, #tpu.memory_space<vmem>>, vector<8x128xf32>
      tpu.vector_store %arg11[%swap3A, %swap3A_69], %broadcast_in_dim3A_68 {strides = array<i32>} : memref<8x128xf32, #tpu.memory_space<vmem>>, vector<8x128xf32>,
    } else {
    }
    %ge3A = arith.constant 0 : i32
    %ge3A_2 = arith.cmpi sge, %arg0, %ge3A : i32
    %lt3A = arith.constant 1 : i32
    %lt3A_3 = arith.cmpi slt, %arg0, %lt3A : i32
    %and3A = arith.andi %ge3A_2, %lt3A_3 : i1
    %convert_element_type3A_4 = arith.extui %and3A : i1 to i32
    %cond3A_5 = arith.constant 0 : i32
    %cond3A_6 = arith.cmpi ne, %convert_element_type3A_4, %cond3A_5 : i32
    scf.if %cond3A_6 {
      %get3A = arith.constant 0 : index
      %get3A_68 = arith.constant 0 : index
      %get3A_69 = vector.load %arg1[%get3A, %get3A_68] : memref<2048x128xf32, #tpu.memory_space<vmem>>, vector<2048x32xf32>
      %swap3A = arith.constant 0 : index
      %swap3A_70 = arith.constant 0 : index
      %swap3A_71 = vector.load %arg10[%swap3A, %swap3A_70] : memref<2048x32xf32, #tpu.memory_space<vmem>>, vector<2048x32xf32>
      tpu.vector_store %arg10[%swap3A, %swap3A_70], %get3A_69 {strides = array<i32>} : memref<2048x32xf32, #tpu.memory_space<vmem>>, vector<2048x32xf32>,
      %get3A_72 = arith.constant 0 : index
      %get3A_73 = arith.constant 0 : index
      %get3A_74 = vector.load %arg9[%get3A_72, %get3A_73] : memref<2048x32xf32, #tpu.memory_space<vmem>>, vector<2048x32xf32>
      %sub3A = arith.subf %get3A_74, %get3A_69 : vector<2048x32xf32>
      %get3A_75 = arith.constant 0 : index
      %get3A_76 = arith.constant 0 : index
      %get3A_77 = vector.load %arg11[%get3A_75, %get3A_76] : memref<8x128xf32, #tpu.memory_space<vmem>>, vector<8x128xf32>
      %mul3A = arith.mulf %sub3A, %sub3A : vector<2048x32xf32>
      %reduce_sum3A = vector.shape_cast %mul3A : vector<2048x32xf32> to vector<1x2048x32xf32>
      %reduce_sum3A_78 = arith.constant dense<0.000000e+00> : vector<1xf32>
      %reduce_sum3A_79 = vector.multi_reduction <add>, %reduce_sum3A, %reduce_sum3A_78 [1, 2] : vector<1x2048x32xf32> to vector<1xf32>
      %reduce_sum3A_80 = vector.shape_cast %reduce_sum3A_79 : vector<1xf32> to vector<1x1x1xf32>
      %reduce_sum3A_81 = vector.extract %reduce_sum3A_80[0, 0, 0] : f32 from vector<1x1x1xf32>
      %broadcast_in_dim3A = vector.broadcast %reduce_sum3A_81 : f32 to vector<8x128xf32>
      %add3A = arith.addf %get3A_77, %broadcast_in_dim3A : vector<8x128xf32>
      %swap3A_82 = arith.constant 0 : index
      %swap3A_83 = arith.constant 0 : index
      %swap3A_84 = vector.load %arg11[%swap3A_82, %swap3A_83] : memref<8x128xf32, #tpu.memory_space<vmem>>, vector<8x128xf32>
      tpu.vector_store %arg11[%swap3A_82, %swap3A_83], %add3A {strides = array<i32>} : memref<8x128xf32, #tpu.memory_space<vmem>>, vector<8x128xf32>,
    } else {
    }
    %ge3A_7 = arith.constant 1 : i32
    %ge3A_8 = arith.cmpi sge, %arg0, %ge3A_7 : i32
    %lt3A_9 = arith.constant 2 : i32
    %lt3A_10 = arith.cmpi slt, %arg0, %lt3A_9 : i32
    %and3A_11 = arith.andi %ge3A_8, %lt3A_10 : i1
    %convert_element_type3A_12 = arith.extui %and3A_11 : i1 to i32
    %cond3A_13 = arith.constant 0 : i32
    %cond3A_14 = arith.cmpi ne, %convert_element_type3A_12, %cond3A_13 : i32
    scf.if %cond3A_14 {
      %get3A = arith.constant 0 : index
      %get3A_68 = arith.constant 0 : index
      %get3A_69 = vector.load %arg2[%get3A, %get3A_68] : memref<2048x128xf32, #tpu.memory_space<vmem>>, vector<2048x32xf32>
      %swap3A = arith.constant 0 : index
      %swap3A_70 = arith.constant 0 : index
      %swap3A_71 = vector.load %arg10[%swap3A, %swap3A_70] : memref<2048x32xf32, #tpu.memory_space<vmem>>, vector<2048x32xf32>
      tpu.vector_store %arg10[%swap3A, %swap3A_70], %get3A_69 {strides = array<i32>} : memref<2048x32xf32, #tpu.memory_space<vmem>>, vector<2048x32xf32>,
      %get3A_72 = arith.constant 0 : index
      %get3A_73 = arith.constant 0 : index
      %get3A_74 = vector.load %arg9[%get3A_72, %get3A_73] : memref<2048x32xf32, #tpu.memory_space<vmem>>, vector<2048x32xf32>
      %sub3A = arith.subf %get3A_74, %get3A_69 : vector<2048x32xf32>
      %get3A_75 = arith.constant 0 : index
      %get3A_76 = arith.constant 0 : index
      %get3A_77 = vector.load %arg11[%get3A_75, %get3A_76] : memref<8x128xf32, #tpu.memory_space<vmem>>, vector<8x128xf32>
      %mul3A = arith.mulf %sub3A, %sub3A : vector<2048x32xf32>
      %reduce_sum3A = vector.shape_cast %mul3A : vector<2048x32xf32> to vector<1x2048x32xf32>
      %reduce_sum3A_78 = arith.constant dense<0.000000e+00> : vector<1xf32>
      %reduce_sum3A_79 = vector.multi_reduction <add>, %reduce_sum3A, %reduce_sum3A_78 [1, 2] : vector<1x2048x32xf32> to vector<1xf32>
      %reduce_sum3A_80 = vector.shape_cast %reduce_sum3A_79 : vector<1xf32> to vector<1x1x1xf32>
      %reduce_sum3A_81 = vector.extract %reduce_sum3A_80[0, 0, 0] : f32 from vector<1x1x1xf32>
      %broadcast_in_dim3A = vector.broadcast %reduce_sum3A_81 : f32 to vector<8x128xf32>
      %add3A = arith.addf %get3A_77, %broadcast_in_dim3A : vector<8x128xf32>
      %swap3A_82 = arith.constant 0 : index
      %swap3A_83 = arith.constant 0 : index
      %swap3A_84 = vector.load %arg11[%swap3A_82, %swap3A_83] : memref<8x128xf32, #tpu.memory_space<vmem>>, vector<8x128xf32>
      tpu.vector_store %arg11[%swap3A_82, %swap3A_83], %add3A {strides = array<i32>} : memref<8x128xf32, #tpu.memory_space<vmem>>, vector<8x128xf32>,
    } else {
    }
    %ge3A_15 = arith.constant 2 : i32
    %ge3A_16 = arith.cmpi sge, %arg0, %ge3A_15 : i32
    %lt3A_17 = arith.constant 3 : i32
    %lt3A_18 = arith.cmpi slt, %arg0, %lt3A_17 : i32
    %and3A_19 = arith.andi %ge3A_16, %lt3A_18 : i1
    %convert_element_type3A_20 = arith.extui %and3A_19 : i1 to i32
    %cond3A_21 = arith.constant 0 : i32
    %cond3A_22 = arith.cmpi ne, %convert_element_type3A_20, %cond3A_21 : i32
    scf.if %cond3A_22 {
      %get3A = arith.constant 0 : index
      %get3A_68 = arith.constant 0 : index
      %get3A_69 = vector.load %arg3[%get3A, %get3A_68] : memref<2048x128xf32, #tpu.memory_space<vmem>>, vector<2048x32xf32>
      %swap3A = arith.constant 0 : index
      %swap3A_70 = arith.constant 0 : index
      %swap3A_71 = vector.load %arg10[%swap3A, %swap3A_70] : memref<2048x32xf32, #tpu.memory_space<vmem>>, vector<2048x32xf32>
      tpu.vector_store %arg10[%swap3A, %swap3A_70], %get3A_69 {strides = array<i32>} : memref<2048x32xf32, #tpu.memory_space<vmem>>, vector<2048x32xf32>,
      %get3A_72 = arith.constant 0 : index
      %get3A_73 = arith.constant 0 : index
      %get3A_74 = vector.load %arg9[%get3A_72, %get3A_73] : memref<2048x32xf32, #tpu.memory_space<vmem>>, vector<2048x32xf32>
      %sub3A = arith.subf %get3A_74, %get3A_69 : vector<2048x32xf32>
      %get3A_75 = arith.constant 0 : index
      %get3A_76 = arith.constant 0 : index
      %get3A_77 = vector.load %arg11[%get3A_75, %get3A_76] : memref<8x128xf32, #tpu.memory_space<vmem>>, vector<8x128xf32>
      %mul3A = arith.mulf %sub3A, %sub3A : vector<2048x32xf32>
      %reduce_sum3A = vector.shape_cast %mul3A : vector<2048x32xf32> to vector<1x2048x32xf32>
      %reduce_sum3A_78 = arith.constant dense<0.000000e+00> : vector<1xf32>
      %reduce_sum3A_79 = vector.multi_reduction <add>, %reduce_sum3A, %reduce_sum3A_78 [1, 2] : vector<1x2048x32xf32> to vector<1xf32>
      %reduce_sum3A_80 = vector.shape_cast %reduce_sum3A_79 : vector<1xf32> to vector<1x1x1xf32>
      %reduce_sum3A_81 = vector.extract %reduce_sum3A_80[0, 0, 0] : f32 from vector<1x1x1xf32>
      %broadcast_in_dim3A = vector.broadcast %reduce_sum3A_81 : f32 to vector<8x128xf32>
      %add3A = arith.addf %get3A_77, %broadcast_in_dim3A : vector<8x128xf32>
      %swap3A_82 = arith.constant 0 : index
      %swap3A_83 = arith.constant 0 : index
      %swap3A_84 = vector.load %arg11[%swap3A_82, %swap3A_83] : memref<8x128xf32, #tpu.memory_space<vmem>>, vector<8x128xf32>
      tpu.vector_store %arg11[%swap3A_82, %swap3A_83], %add3A {strides = array<i32>} : memref<8x128xf32, #tpu.memory_space<vmem>>, vector<8x128xf32>,
    } else {
    }
    %ge3A_23 = arith.constant 3 : i32
    %ge3A_24 = arith.cmpi sge, %arg0, %ge3A_23 : i32
    %lt3A_25 = arith.constant 4 : i32
    %lt3A_26 = arith.cmpi slt, %arg0, %lt3A_25 : i32
    %and3A_27 = arith.andi %ge3A_24, %lt3A_26 : i1
    %convert_element_type3A_28 = arith.extui %and3A_27 : i1 to i32
    %cond3A_29 = arith.constant 0 : i32
    %cond3A_30 = arith.cmpi ne, %convert_element_type3A_28, %cond3A_29 : i32
    scf.if %cond3A_30 {
      %get3A = arith.constant 0 : index
      %get3A_68 = arith.constant 0 : index
      %get3A_69 = vector.load %arg4[%get3A, %get3A_68] : memref<2048x128xf32, #tpu.memory_space<vmem>>, vector<2048x32xf32>
      %swap3A = arith.constant 0 : index
      %swap3A_70 = arith.constant 0 : index
      %swap3A_71 = vector.load %arg10[%swap3A, %swap3A_70] : memref<2048x32xf32, #tpu.memory_space<vmem>>, vector<2048x32xf32>
      tpu.vector_store %arg10[%swap3A, %swap3A_70], %get3A_69 {strides = array<i32>} : memref<2048x32xf32, #tpu.memory_space<vmem>>, vector<2048x32xf32>,
      %get3A_72 = arith.constant 0 : index
      %get3A_73 = arith.constant 0 : index
      %get3A_74 = vector.load %arg9[%get3A_72, %get3A_73] : memref<2048x32xf32, #tpu.memory_space<vmem>>, vector<2048x32xf32>
      %sub3A = arith.subf %get3A_74, %get3A_69 : vector<2048x32xf32>
      %get3A_75 = arith.constant 0 : index
      %get3A_76 = arith.constant 0 : index
      %get3A_77 = vector.load %arg11[%get3A_75, %get3A_76] : memref<8x128xf32, #tpu.memory_space<vmem>>, vector<8x128xf32>
      %mul3A = arith.mulf %sub3A, %sub3A : vector<2048x32xf32>
      %reduce_sum3A = vector.shape_cast %mul3A : vector<2048x32xf32> to vector<1x2048x32xf32>
      %reduce_sum3A_78 = arith.constant dense<0.000000e+00> : vector<1xf32>
      %reduce_sum3A_79 = vector.multi_reduction <add>, %reduce_sum3A, %reduce_sum3A_78 [1, 2] : vector<1x2048x32xf32> to vector<1xf32>
      %reduce_sum3A_80 = vector.shape_cast %reduce_sum3A_79 : vector<1xf32> to vector<1x1x1xf32>
      %reduce_sum3A_81 = vector.extract %reduce_sum3A_80[0, 0, 0] : f32 from vector<1x1x1xf32>
      %broadcast_in_dim3A = vector.broadcast %reduce_sum3A_81 : f32 to vector<8x128xf32>
      %add3A = arith.addf %get3A_77, %broadcast_in_dim3A : vector<8x128xf32>
      %swap3A_82 = arith.constant 0 : index
      %swap3A_83 = arith.constant 0 : index
      %swap3A_84 = vector.load %arg11[%swap3A_82, %swap3A_83] : memref<8x128xf32, #tpu.memory_space<vmem>>, vector<8x128xf32>
      tpu.vector_store %arg11[%swap3A_82, %swap3A_83], %add3A {strides = array<i32>} : memref<8x128xf32, #tpu.memory_space<vmem>>, vector<8x128xf32>,
    } else {
    }
    %ge3A_31 = arith.constant 4 : i32
    %ge3A_32 = arith.cmpi sge, %arg0, %ge3A_31 : i32
    %lt3A_33 = arith.constant 5 : i32
    %lt3A_34 = arith.cmpi slt, %arg0, %lt3A_33 : i32
    %and3A_35 = arith.andi %ge3A_32, %lt3A_34 : i1
    %convert_element_type3A_36 = arith.extui %and3A_35 : i1 to i32
    %cond3A_37 = arith.constant 0 : i32
    %cond3A_38 = arith.cmpi ne, %convert_element_type3A_36, %cond3A_37 : i32
    scf.if %cond3A_38 {
      %get3A = arith.constant 0 : index
      %get3A_68 = arith.constant 0 : index
      %get3A_69 = vector.load %arg5[%get3A, %get3A_68] : memref<2048x128xf32, #tpu.memory_space<vmem>>, vector<2048x32xf32>
      %swap3A = arith.constant 0 : index
      %swap3A_70 = arith.constant 0 : index
      %swap3A_71 = vector.load %arg10[%swap3A, %swap3A_70] : memref<2048x32xf32, #tpu.memory_space<vmem>>, vector<2048x32xf32>
      tpu.vector_store %arg10[%swap3A, %swap3A_70], %get3A_69 {strides = array<i32>} : memref<2048x32xf32, #tpu.memory_space<vmem>>, vector<2048x32xf32>,
      %get3A_72 = arith.constant 0 : index
      %get3A_73 = arith.constant 0 : index
      %get3A_74 = vector.load %arg9[%get3A_72, %get3A_73] : memref<2048x32xf32, #tpu.memory_space<vmem>>, vector<2048x32xf32>
      %sub3A = arith.subf %get3A_74, %get3A_69 : vector<2048x32xf32>
      %get3A_75 = arith.constant 0 : index
      %get3A_76 = arith.constant 0 : index
      %get3A_77 = vector.load %arg11[%get3A_75, %get3A_76] : memref<8x128xf32, #tpu.memory_space<vmem>>, vector<8x128xf32>
      %mul3A = arith.mulf %sub3A, %sub3A : vector<2048x32xf32>
      %reduce_sum3A = vector.shape_cast %mul3A : vector<2048x32xf32> to vector<1x2048x32xf32>
      %reduce_sum3A_78 = arith.constant dense<0.000000e+00> : vector<1xf32>
      %reduce_sum3A_79 = vector.multi_reduction <add>, %reduce_sum3A, %reduce_sum3A_78 [1, 2] : vector<1x2048x32xf32> to vector<1xf32>
      %reduce_sum3A_80 = vector.shape_cast %reduce_sum3A_79 : vector<1xf32> to vector<1x1x1xf32>
      %reduce_sum3A_81 = vector.extract %reduce_sum3A_80[0, 0, 0] : f32 from vector<1x1x1xf32>
      %broadcast_in_dim3A = vector.broadcast %reduce_sum3A_81 : f32 to vector<8x128xf32>
      %add3A = arith.addf %get3A_77, %broadcast_in_dim3A : vector<8x128xf32>
      %swap3A_82 = arith.constant 0 : index
      %swap3A_83 = arith.constant 0 : index
      %swap3A_84 = vector.load %arg11[%swap3A_82, %swap3A_83] : memref<8x128xf32, #tpu.memory_space<vmem>>, vector<8x128xf32>
      tpu.vector_store %arg11[%swap3A_82, %swap3A_83], %add3A {strides = array<i32>} : memref<8x128xf32, #tpu.memory_space<vmem>>, vector<8x128xf32>,
    } else {
    }
    %ge3A_39 = arith.constant 5 : i32
    %ge3A_40 = arith.cmpi sge, %arg0, %ge3A_39 : i32
    %lt3A_41 = arith.constant 6 : i32
    %lt3A_42 = arith.cmpi slt, %arg0, %lt3A_41 : i32
    %and3A_43 = arith.andi %ge3A_40, %lt3A_42 : i1
    %convert_element_type3A_44 = arith.extui %and3A_43 : i1 to i32
    %cond3A_45 = arith.constant 0 : i32
    %cond3A_46 = arith.cmpi ne, %convert_element_type3A_44, %cond3A_45 : i32
    scf.if %cond3A_46 {
      %get3A = arith.constant 0 : index
      %get3A_68 = arith.constant 0 : index
      %get3A_69 = vector.load %arg6[%get3A, %get3A_68] : memref<2048x128xf32, #tpu.memory_space<vmem>>, vector<2048x32xf32>
      %swap3A = arith.constant 0 : index
      %swap3A_70 = arith.constant 0 : index
      %swap3A_71 = vector.load %arg10[%swap3A, %swap3A_70] : memref<2048x32xf32, #tpu.memory_space<vmem>>, vector<2048x32xf32>
      tpu.vector_store %arg10[%swap3A, %swap3A_70], %get3A_69 {strides = array<i32>} : memref<2048x32xf32, #tpu.memory_space<vmem>>, vector<2048x32xf32>,
      %get3A_72 = arith.constant 0 : index
      %get3A_73 = arith.constant 0 : index
      %get3A_74 = vector.load %arg9[%get3A_72, %get3A_73] : memref<2048x32xf32, #tpu.memory_space<vmem>>, vector<2048x32xf32>
      %sub3A = arith.subf %get3A_74, %get3A_69 : vector<2048x32xf32>
      %get3A_75 = arith.constant 0 : index
      %get3A_76 = arith.constant 0 : index
      %get3A_77 = vector.load %arg11[%get3A_75, %get3A_76] : memref<8x128xf32, #tpu.memory_space<vmem>>, vector<8x128xf32>
      %mul3A = arith.mulf %sub3A, %sub3A : vector<2048x32xf32>
      %reduce_sum3A = vector.shape_cast %mul3A : vector<2048x32xf32> to vector<1x2048x32xf32>
      %reduce_sum3A_78 = arith.constant dense<0.000000e+00> : vector<1xf32>
      %reduce_sum3A_79 = vector.multi_reduction <add>, %reduce_sum3A, %reduce_sum3A_78 [1, 2] : vector<1x2048x32xf32> to vector<1xf32>
      %reduce_sum3A_80 = vector.shape_cast %reduce_sum3A_79 : vector<1xf32> to vector<1x1x1xf32>
      %reduce_sum3A_81 = vector.extract %reduce_sum3A_80[0, 0, 0] : f32 from vector<1x1x1xf32>
      %broadcast_in_dim3A = vector.broadcast %reduce_sum3A_81 : f32 to vector<8x128xf32>
      %add3A = arith.addf %get3A_77, %broadcast_in_dim3A : vector<8x128xf32>
      %swap3A_82 = arith.constant 0 : index
      %swap3A_83 = arith.constant 0 : index
      %swap3A_84 = vector.load %arg11[%swap3A_82, %swap3A_83] : memref<8x128xf32, #tpu.memory_space<vmem>>, vector<8x128xf32>
      tpu.vector_store %arg11[%swap3A_82, %swap3A_83], %add3A {strides = array<i32>} : memref<8x128xf32, #tpu.memory_space<vmem>>, vector<8x128xf32>,
    } else {
    }
    %ge3A_47 = arith.constant 6 : i32
    %ge3A_48 = arith.cmpi sge, %arg0, %ge3A_47 : i32
    %lt3A_49 = arith.constant 7 : i32
    %lt3A_50 = arith.cmpi slt, %arg0, %lt3A_49 : i32
    %and3A_51 = arith.andi %ge3A_48, %lt3A_50 : i1
    %convert_element_type3A_52 = arith.extui %and3A_51 : i1 to i32
    %cond3A_53 = arith.constant 0 : i32
    %cond3A_54 = arith.cmpi ne, %convert_element_type3A_52, %cond3A_53 : i32
    scf.if %cond3A_54 {
      %get3A = arith.constant 0 : index
      %get3A_68 = arith.constant 0 : index
      %get3A_69 = vector.load %arg7[%get3A, %get3A_68] : memref<2048x128xf32, #tpu.memory_space<vmem>>, vector<2048x32xf32>
      %swap3A = arith.constant 0 : index
      %swap3A_70 = arith.constant 0 : index
      %swap3A_71 = vector.load %arg10[%swap3A, %swap3A_70] : memref<2048x32xf32, #tpu.memory_space<vmem>>, vector<2048x32xf32>
      tpu.vector_store %arg10[%swap3A, %swap3A_70], %get3A_69 {strides = array<i32>} : memref<2048x32xf32, #tpu.memory_space<vmem>>, vector<2048x32xf32>,
      %get3A_72 = arith.constant 0 : index
      %get3A_73 = arith.constant 0 : index
      %get3A_74 = vector.load %arg9[%get3A_72, %get3A_73] : memref<2048x32xf32, #tpu.memory_space<vmem>>, vector<2048x32xf32>
      %sub3A = arith.subf %get3A_74, %get3A_69 : vector<2048x32xf32>
      %get3A_75 = arith.constant 0 : index
      %get3A_76 = arith.constant 0 : index
      %get3A_77 = vector.load %arg11[%get3A_75, %get3A_76] : memref<8x128xf32, #tpu.memory_space<vmem>>, vector<8x128xf32>
      %mul3A = arith.mulf %sub3A, %sub3A : vector<2048x32xf32>
      %reduce_sum3A = vector.shape_cast %mul3A : vector<2048x32xf32> to vector<1x2048x32xf32>
      %reduce_sum3A_78 = arith.constant dense<0.000000e+00> : vector<1xf32>
      %reduce_sum3A_79 = vector.multi_reduction <add>, %reduce_sum3A, %reduce_sum3A_78 [1, 2] : vector<1x2048x32xf32> to vector<1xf32>
      %reduce_sum3A_80 = vector.shape_cast %reduce_sum3A_79 : vector<1xf32> to vector<1x1x1xf32>
      %reduce_sum3A_81 = vector.extract %reduce_sum3A_80[0, 0, 0] : f32 from vector<1x1x1xf32>
      %broadcast_in_dim3A = vector.broadcast %reduce_sum3A_81 : f32 to vector<8x128xf32>
      %add3A = arith.addf %get3A_77, %broadcast_in_dim3A : vector<8x128xf32>
      %swap3A_82 = arith.constant 0 : index
      %swap3A_83 = arith.constant 0 : index
      %swap3A_84 = vector.load %arg11[%swap3A_82, %swap3A_83] : memref<8x128xf32, #tpu.memory_space<vmem>>, vector<8x128xf32>
      tpu.vector_store %arg11[%swap3A_82, %swap3A_83], %add3A {strides = array<i32>} : memref<8x128xf32, #tpu.memory_space<vmem>>, vector<8x128xf32>,
    } else {
    }
    %ge3A_55 = arith.constant 7 : i32
    %ge3A_56 = arith.cmpi sge, %arg0, %ge3A_55 : i32
    %lt3A_57 = arith.constant 8 : i32
    %lt3A_58 = arith.cmpi slt, %arg0, %lt3A_57 : i32
    %and3A_59 = arith.andi %ge3A_56, %lt3A_58 : i1
    %convert_element_type3A_60 = arith.extui %and3A_59 : i1 to i32
    %cond3A_61 = arith.constant 0 : i32
    %cond3A_62 = arith.cmpi ne, %convert_element_type3A_60, %cond3A_61 : i32
    scf.if %cond3A_62 {
      %get3A = arith.constant 0 : index
      %get3A_68 = arith.constant 0 : index
      %get3A_69 = vector.load %arg8[%get3A, %get3A_68] : memref<2048x128xf32, #tpu.memory_space<vmem>>, vector<2048x32xf32>
      %swap3A = arith.constant 0 : index
      %swap3A_70 = arith.constant 0 : index
      %swap3A_71 = vector.load %arg10[%swap3A, %swap3A_70] : memref<2048x32xf32, #tpu.memory_space<vmem>>, vector<2048x32xf32>
      tpu.vector_store %arg10[%swap3A, %swap3A_70], %get3A_69 {strides = array<i32>} : memref<2048x32xf32, #tpu.memory_space<vmem>>, vector<2048x32xf32>,
      %get3A_72 = arith.constant 0 : index
      %get3A_73 = arith.constant 0 : index
      %get3A_74 = vector.load %arg9[%get3A_72, %get3A_73] : memref<2048x32xf32, #tpu.memory_space<vmem>>, vector<2048x32xf32>
      %sub3A = arith.subf %get3A_74, %get3A_69 : vector<2048x32xf32>
      %get3A_75 = arith.constant 0 : index
      %get3A_76 = arith.constant 0 : index
      %get3A_77 = vector.load %arg11[%get3A_75, %get3A_76] : memref<8x128xf32, #tpu.memory_space<vmem>>, vector<8x128xf32>
      %mul3A = arith.mulf %sub3A, %sub3A : vector<2048x32xf32>
      %reduce_sum3A = vector.shape_cast %mul3A : vector<2048x32xf32> to vector<1x2048x32xf32>
      %reduce_sum3A_78 = arith.constant dense<0.000000e+00> : vector<1xf32>
      %reduce_sum3A_79 = vector.multi_reduction <add>, %reduce_sum3A, %reduce_sum3A_78 [1, 2] : vector<1x2048x32xf32> to vector<1xf32>
      %reduce_sum3A_80 = vector.shape_cast %reduce_sum3A_79 : vector<1xf32> to vector<1x1x1xf32>
      %reduce_sum3A_81 = vector.extract %reduce_sum3A_80[0, 0, 0] : f32 from vector<1x1x1xf32>
      %broadcast_in_dim3A = vector.broadcast %reduce_sum3A_81 : f32 to vector<8x128xf32>
      %add3A = arith.addf %get3A_77, %broadcast_in_dim3A : vector<8x128xf32>
      %swap3A_82 = arith.constant 0 : index
      %swap3A_83 = arith.constant 0 : index
      %swap3A_84 = vector.load %arg11[%swap3A_82, %swap3A_83] : memref<8x128xf32, #tpu.memory_space<vmem>>, vector<8x128xf32>
      tpu.vector_store %arg11[%swap3A_82, %swap3A_83], %add3A {strides = array<i32>} : memref<8x128xf32, #tpu.memory_space<vmem>>, vector<8x128xf32>,
    } else {
    }
    %eq3A_63 = arith.constant 7 : i32
    %eq3A_64 = arith.cmpi eq, %arg0, %eq3A_63 : i32
    %convert_element_type3A_65 = arith.extui %eq3A_64 : i1 to i32
    %cond3A_66 = arith.constant 0 : i32
    %cond3A_67 = arith.cmpi ne, %convert_element_type3A_65, %cond3A_66 : i32
    scf.if %cond3A_67 {
      %get3A = arith.constant 0 : index
      %get3A_68 = arith.constant 0 : index
      %get3A_69 = vector.load %arg11[%get3A, %get3A_68] : memref<8x128xf32, #tpu.memory_space<vmem>>, vector<8x128xf32>
      %div3A = arith.constant 5.242880e+05 : f32
      %div3A_70 = vector.broadcast %div3A : f32 to vector<8x128xf32>
      %div3A_71 = arith.divf %get3A_69, %div3A_70 : vector<8x128xf32>
      %swap3A = arith.constant 0 : index
      %swap3A_72 = arith.constant 0 : index
      %swap3A_73 = vector.load %arg11[%swap3A, %swap3A_72] : memref<8x128xf32, #tpu.memory_space<vmem>>, vector<8x128xf32>
      tpu.vector_store %arg11[%swap3A, %swap3A_72], %div3A_71 {strides = array<i32>} : memref<8x128xf32, #tpu.memory_space<vmem>>, vector<8x128xf32>,
    } else {
    }
    return
  }
  func.func @transform_0(%arg0: i32) -> (i32, i32) {
    %sub3A = arith.constant 0 : i32
    %sub3A_0 = arith.subi %arg0, %sub3A : i32
    %jit3A = arith.constant 0 : i32
    %jit3A_1 = arith.constant 0 : i32
    %max3A = arith.maxsi %jit3A, %sub3A_0 : i32
    %min3A = arith.minsi %jit3A_1, %max3A : i32
    %c0_i32 = arith.constant 0 : i32
    %c0_i32_2 = arith.constant 0 : i32
    return %min3A, %c0_i32 : i32, i32
  }
  func.func @transform_1(%arg0: i32) -> (i32, i32) {
    %sub3A = arith.constant 1 : i32
    %sub3A_0 = arith.subi %arg0, %sub3A : i32
    %jit3A = arith.constant 0 : i32
    %jit3A_1 = arith.constant 0 : i32
    %max3A = arith.maxsi %jit3A, %sub3A_0 : i32
    %min3A = arith.minsi %jit3A_1, %max3A : i32
    %c0_i32 = arith.constant 0 : i32
    %c0_i32_2 = arith.constant 0 : i32
    return %min3A, %c0_i32 : i32, i32
  }
  func.func @transform_2(%arg0: i32) -> (i32, i32) {
    %sub3A = arith.constant 2 : i32
    %sub3A_0 = arith.subi %arg0, %sub3A : i32
    %jit3A = arith.constant 0 : i32
    %jit3A_1 = arith.constant 0 : i32
    %max3A = arith.maxsi %jit3A, %sub3A_0 : i32
    %min3A = arith.minsi %jit3A_1, %max3A : i32
    %c0_i32 = arith.constant 0 : i32
    %c0_i32_2 = arith.constant 0 : i32
    return %min3A, %c0_i32 : i32, i32
  }
  func.func @transform_3(%arg0: i32) -> (i32, i32) {
    %sub3A = arith.constant 3 : i32
    %sub3A_0 = arith.subi %arg0, %sub3A : i32
    %jit3A = arith.constant 0 : i32
    %jit3A_1 = arith.constant 0 : i32
    %max3A = arith.maxsi %jit3A, %sub3A_0 : i32
    %min3A = arith.minsi %jit3A_1, %max3A : i32
    %c0_i32 = arith.constant 0 : i32
    %c0_i32_2 = arith.constant 0 : i32
    return %min3A, %c0_i32 : i32, i32
  }
  func.func @transform_4(%arg0: i32) -> (i32, i32) {
    %sub3A = arith.constant 4 : i32
    %sub3A_0 = arith.subi %arg0, %sub3A : i32
    %jit3A = arith.constant 0 : i32
    %jit3A_1 = arith.constant 0 : i32
    %max3A = arith.maxsi %jit3A, %sub3A_0 : i32
    %min3A = arith.minsi %jit3A_1, %max3A : i32
    %c0_i32 = arith.constant 0 : i32
    %c0_i32_2 = arith.constant 0 : i32
    return %min3A, %c0_i32 : i32, i32
  }
  func.func @transform_5(%arg0: i32) -> (i32, i32) {
    %sub3A = arith.constant 5 : i32
    %sub3A_0 = arith.subi %arg0, %sub3A : i32
    %jit3A = arith.constant 0 : i32
    %jit3A_1 = arith.constant 0 : i32
    %max3A = arith.maxsi %jit3A, %sub3A_0 : i32
    %min3A = arith.minsi %jit3A_1, %max3A : i32
    %c0_i32 = arith.constant 0 : i32
    %c0_i32_2 = arith.constant 0 : i32
    return %min3A, %c0_i32 : i32, i32
  }
  func.func @transform_6(%arg0: i32) -> (i32, i32) {
    %sub3A = arith.constant 6 : i32
    %sub3A_0 = arith.subi %arg0, %sub3A : i32
    %jit3A = arith.constant 0 : i32
    %jit3A_1 = arith.constant 0 : i32
    %max3A = arith.maxsi %jit3A, %sub3A_0 : i32
    %min3A = arith.minsi %jit3A_1, %max3A : i32
    %c0_i32 = arith.constant 0 : i32
    %c0_i32_2 = arith.constant 0 : i32
    return %min3A, %c0_i32 : i32, i32
  }
  func.func @transform_7(%arg0: i32) -> (i32, i32) {
    %sub3A = arith.constant 7 : i32
    %sub3A_0 = arith.subi %arg0, %sub3A : i32
    %jit3A = arith.constant 0 : i32
    %jit3A_1 = arith.constant 0 : i32
    %max3A = arith.maxsi %jit3A, %sub3A_0 : i32
    %min3A = arith.minsi %jit3A_1, %max3A : i32
    %c0_i32 = arith.constant 0 : i32
    %c0_i32_2 = arith.constant 0 : i32
    return %min3A, %c0_i32 : i32, i32
  }
  func.func @transform_8(%arg0: i32) -> (i32, i32) {
    %c0_i32 = arith.constant 0 : i32
    %c0_i32_0 = arith.constant 0 : i32
    return %arg0, %c0_i32 : i32, i32
  }
  func.func @transform_9(%arg0: i32) -> (i32, i32) {
    %c0_i32 = arith.constant 0 : i32
    %c0_i32_0 = arith.constant 0 : i32
    return %arg0, %c0_i32 : i32, i32
  }
  func.func @transform_10(%arg0: i32) -> (i32, i32) {
    %c0_i32 = arith.constant 0 : i32
    %c0_i32_0 = arith.constant 0 : i32
    %c0_i32_1 = arith.constant 0 : i32
    return %c0_i32, %c0_i32_0 : i32, i32
  }
}

</mosaic_0001>

<sc_bundles>
// kernel: kernel.20.cloned.1.call-start
scs
__scs_entry_jumppad:
0x0: {  	(pc) =	sbr.rel $0x88, $3  }
0x1: {  	(tag) =	ssettag $0x0;
	lr =	simm.s32 $0x1  }
0x2: {  	[smem:$0x3F9F] =	sst lr;
	_ =	strace $0xD0000000  }
0x3: {  	_ = 	snop  }
0x4: {  	_ = 	snop  }
0x5: {  	_ = 	snop  }
0x6: {  	_ = 	snop  }
0x7: {  	_ = 	snop  }
__scs_overlays_trampoline_lowered:
0x8: {  	[smem:$0x3FAE] =	sst s0  }
0x9: {  	[smem:$0x3FAF] =	sst s1  }
0xa: {  	[smem:$0x3FB0] =	sst s2  }
0xb: {  	[smem:$0x3FB1] =	sst s3  }
0xc: {  	[smem:$0x3FB2] =	sst s4  }
0xd: {  	[smem:$0x3FB3] =	sst s5  }
0xe: {  	[smem:$0x3FB4] =	sst s6  }
0xf: {  	[smem:$0x3FB5] =	sst s7  }
0x10: {  	[smem:$0x3FB6] =	sst s8  }
0x11: {  	[smem:$0x3FB7] =	sst s9;
	s0 =	simm.s32 @!p0 $0x0  }
0x12: {  	s1 =	sld [smem:$0x3F9D];
	s0 =	simm.s32 @p0 $0x1  }
0x13: {  	[smem:$0x3FB8] =	sst s0;
	s0 =	simm.s32 @!p1 $0x0  }
0x14: {  	s2 =	sld [smem:$0x3F9C];
	s0 =	simm.s32 @p1 $0x1  }
0x15: {  	[smem:$0x3FB9] =	sst s0;
	s0 =	simm.s32 @!p2 $0x0  }
0x16: {  	s3 =	sld [smem:$0x3FDB];
	s0 =	simm.s32 @p2 $0x1  }
0x17: {  	s4 =	simm.s32 $0x1BF5;
	[smem:$0x3FBB] =	sst s0  }
0x18: {  	s0 =	sld [smem:$0x3F9E];
	_ =	swait.ge [sflag:s4], $0x0  }
0x19: {  	s7 =	sld [smem:$0x3F9F]  }
0x1a: {  	s8 =	sadd.s32 $0xFFFFE003, lr  }
0x1b: {  	s9 =	sadd.s32 $0xFFFFFEF7, lr;
	s5 =	simm.s32 $0xFFFFFFFF;
	p2 =	slt.u32 s8, $0xFFFFF086  }
0x1c: {  	p1 =	slt.u32 s9, $0xF7A;
	s5 =	simm.s32 @!p2 $0x0  }
0x1d: {  	s5 =	simm.s32 @p1 $0x1;
	p0 =	seq.s32 s7, s2  }
0x1e: {  	s7 =	smul.u32 @!p0 $0xF7A, s2;
	p2 =	seq.s32 @!p0 s5, $0x0  }
0x1f: {  	s9 =	smul.u32 $0xF7A, s1;
	s8 =	simm.s32 @!p0 $0x1BF5;
	p2 =	por !p2, p0  }
0x20: {  	[sflag:s8] =	ssyncset.s32 @!p0 $0xFFFFF086;
	s6 =	sadd.s32 @!p0 s3, s7;
	s7 =	simm.s32 @!p0 $0x108  }
0x21: {  	s3 =	sadd.s32 s3, s9;
	s6 =	sadd.s32 @!p0 $0x88, s6;
	s7 =	simm.s32 @p2 $0x1082  }
0x22: {  	[simem:s7], [sflag:s8] =	dma.local @!p0 [hbm:s6], $0xF7A  }
0x23: {  	s9 =	sor.u32 $0xD0000000, s2;
	s6 =	simm.s32 $0x108;
	_ =	swait.ge @!p0 [sflag:s8], $0x0  }
0x24: {  	s3 =	sadd.s32 $0x88, s3;
	s6 =	simm.s32 @!p1 $0x1082;
	[sflag:s4] =	ssyncset.s32 $0xFFFFF086  }
0x25: {  	[simem:s6], [sflag:s4] =	dma.local [hbm:s3], $0xF7A  }
0x26: {  	[smem:$0x3F9F] =	sst s1;
	(tag) =	ssettag s2;
	_ =	strace s9  }
0x27: {  	s1 =	sld [smem:$0x3FAF]  }
0x28: {  	s2 =	sld [smem:$0x3FB0]  }
0x29: {  	s4 =	sld [smem:$0x3FB2]  }
0x2a: {  	p0 =	seq.s32 s5, $0x0;
	s5 =	sld [smem:$0x3FB3]  }
0x2b: {  	s6 =	sld [smem:$0x3FB4]  }
0x2c: {  	s7 =	sld [smem:$0x3FB5]  }
0x2d: {  	s3 =	simm.s32 $0x108;
	s8 =	sld [smem:$0x3FB6]  }
0x2e: {  	s3 =	simm.s32 @!p0 $0x1082;
	s9 =	sld [smem:$0x3FB7]  }
0x2f: {  	lr =	sadd.s32 s0, s3;
	s0 =	sld [smem:$0x3FAE]  }
0x30: {  	s3 =	sld [smem:$0x3FB1]  }
0x31: {  	[smem:$0x3FBA] =	sst s10  }
0x32: {  	s10 =	sld [smem:$0x3FB8];
	_ =	sdelay $0x3  }
0x33: {  	p0 =	seq.s32 s10, $0x1;
	s10 =	sld [smem:$0x3FBA];
	_ =	sdelay $0x3  }
0x34: {  	[smem:$0x3FBA] =	sst s10  }
0x35: {  	s10 =	sld [smem:$0x3FB9];
	_ =	sdelay $0x3  }
0x36: {  	p1 =	seq.s32 s10, $0x1;
	s10 =	sld [smem:$0x3FBA];
	_ =	sdelay $0x3  }
0x37: {  	[smem:$0x3FBA] =	sst s10  }
0x38: {  	s10 =	sld [smem:$0x3FBB]  }
0x39: {  	_ = 	snop;
	(pc) =	sbr.ind lr, $3  }
0x3a: {  	_ = 	snop  }
0x3b: {  	_ = 	snop  }
0x3c: {  	p2 =	seq.s32 s10, $0x1;
	s10 =	sld [smem:$0x3FBA]  }
0x3d: {  	_ =	shalt  }
0x3e: {  	_ =	shalt  }
0x3f: {  	_ =	shalt  }
0x40: {  	_ =	shalt  }
0x41: {  	_ =	shalt  }
0x42: {  	_ =	shalt  }
0x43: {  	_ =	shalt  }
0x44: {  	_ =	shalt  }
0x45: {  	_ =	shalt  }
0x46: {  	_ =	shalt  }
0x47: {  	_ =	shalt  }
0x48: {  	_ =	shalt  }
0x49: {  	_ =	shalt  }
0x4a: {  	_ =	shalt  }
0x4b: {  	_ =	shalt  }
0x4c: {  	_ =	shalt  }
0x4d: {  	_ =	shalt  }
0x4e: {  	_ =	shalt  }
0x4f: {  	_ =	shalt  }
0x50: {  	_ =	shalt  }
0x51: {  	_ =	shalt  }
0x52: {  	_ =	shalt  }
0x53: {  	_ =	shalt  }
0x54: {  	_ =	shalt  }
0x55: {  	_ =	shalt  }
0x56: {  	_ =	shalt  }
0x57: {  	_ =	shalt  }
0x58: {  	_ =	shalt  }
0x59: {  	_ =	shalt  }
0x5a: {  	_ =	shalt  }
0x5b: {  	_ =	shalt  }
0x5c: {  	_ =	shalt  }
0x5d: {  	_ =	shalt  }
0x5e: {  	_ =	shalt  }
0x5f: {  	_ =	shalt  }
0x60: {  	_ =	shalt  }
0x61: {  	_ =	shalt  }
0x62: {  	_ =	shalt  }
0x63: {  	_ =	shalt  }
0x64: {  	_ =	shalt  }
0x65: {  	_ =	shalt  }
0x66: {  	_ =	shalt  }
0x67: {  	_ =	shalt  }
0x68: {  	_ =	shalt  }
0x69: {  	_ =	shalt  }
0x6a: {  	_ =	shalt  }
0x6b: {  	_ =	shalt  }
0x6c: {  	_ =	shalt  }
0x6d: {  	_ =	shalt  }
0x6e: {  	_ =	shalt  }
0x6f: {  	_ =	shalt  }
0x70: {  	_ =	shalt  }
0x71: {  	_ =	shalt  }
0x72: {  	_ =	shalt  }
0x73: {  	_ =	shalt  }
0x74: {  	_ =	shalt  }
0x75: {  	_ =	shalt  }
0x76: {  	_ =	shalt  }
0x77: {  	_ =	shalt  }
0x78: {  	_ =	shalt  }
0x79: {  	_ =	shalt  }
0x7a: {  	_ =	shalt  }
0x7b: {  	_ =	shalt  }
0x7c: {  	_ =	shalt  }
0x7d: {  	_ =	shalt  }
0x7e: {  	_ =	shalt  }
0x7f: {  	_ =	shalt  }
0x80: {  	_ =	shalt  }
0x81: {  	_ =	shalt  }
0x82: {  	_ =	shalt  }
0x83: {  	_ =	shalt  }
0x84: {  	_ =	shalt  }
0x85: {  	_ =	shalt  }
0x86: {  	_ =	shalt  }
0x87: {  	_ =	shalt  }
.Lfunc_end0:
.L_simem_size_0:
called_computation_lowered:
.L_overlay_start_0:
0x88: {  	s2 =	sld [smem:$0x3FD9]  }
0x89: {  	s3 =	sld [smem:$0x3FFE];
	_ =	sdelay $0x1  }
0x8a: {  	s1 =	srdreg.scid  }
0x8b: {  	s0 =	sand.u32 $0x1, s1  }
0x8c: {  	s16 =	sshll.u32 s0, $0xA;
	s2 =	sadd.s32 s3, s2  }
0x8d: {  	s2 =	sadd.s32 s2, s16  }
0x8e: {  	[smem:$0x3FC6] =	sst s2  }
0x8f: {  	_ = 	snop  }
0x90: {  	(tm) =	ssettm $0x1  }
0x91: {  	s17 =	sld [smem:$0x3FFB];
	_ =	sdelay $0x3  }
0x92: {  	_ =	strace s17  }
0x93: {  	s2 =	sld [smem:$0x3FFC];
	_ =	sdelay $0x3  }
0x94: {  	_ =	strace s2  }
0x95: {  	s2 =	sld [smem:$0x3FFD];
	_ =	sdelay $0x3  }
0x96: {  	_ =	strace s2  }
0x97: {  	_ =	strace $0x8FFFFFFF  }
0x98: {  	s18 =	sld [smem:$0x3FDB];
	_ =	sdelay $0x1  }
0x99: {  	s19 =	simm.s32 $_scs_section_size  }
0x9a: {  	s4 =	simm.s32 $_size__tile_overlayer_lowered;
	s5 =	simm.s32 $_tile_overlayer_lowered  }
0x9b: {  	s22 =	simm.s32 $0x1BFF;
	s21 =	sshll.u32 s5, $0x1;
	s2 =	sadd.s32 s19, s18  }
0x9c: {  	s6 =	simm.s32 $0x0;
	s20 =	sshll.u32 s4, $0x1;
	s4 =	sadd.s32 s21, s2  }
0x9d: {  	[timem:s6], [sflag:s22] =	dma.local [hbm:s4], s20  }
0x9e: {  	_ =	swait.ge [sflag:s22], s20  }
0x9f: {  	s3 =	ssub.s32 $0x0, s20;
	[sflag:s22] =	ssyncset.done $0x0  }
0xa0: {  	[sflag:s22] =	ssyncadd.s32 s3;
	_ =	sdelay $0x1  }
0xa1: {  	s23 =	simm.s32 $0x1B8B  }
0xa2: {  	_ =	swait.ge [sflag:s23], $0x1  }
0xa3: {  	[sflag:s23] =	ssyncset.done $0x0  }
0xa4: {  	s25 =	simm.s32 $0x1B8E;
	s24 =	sld [smem:$0x3FFE];
	[sflag:s23] =	ssyncadd.s32 $0xFFFFFFFF  }
0xa5: {  	s26 =	simm.s32 $execute0_lowered;
	[smem:$0x3FD2] =	sst s25  }
0xa6: {  	s4 =	sshll.u32 s26, $0x1;
	_ =	strace $0x80000046;
	[dreg:$0x1] =	wrdreg $0xFFFFFFFF  }
0xa7: {  	s28 =	simm.s32 $_size_execute0_lowered;
	s2 =	sadd.s32 s2, s4;
	[dreg:$0x0] =	wrdreg $0x0  }
0xa8: {  	s4 =	sshll.u32 s28, $0x1;
	[dreg:$0x2] =	wrdreg s2  }
0xa9: {  	[dreg:$0x3] =	wrdreg s4  }
0xaa: {  	[dreg:$0x4] =	wrdreg $0xC0  }
0xab: {  	_ =	task [dreg:s6], $0x5FFFF  }
0xac: {  	[dreg:$0x1] =	wrdreg $0xFFFFFFFF  }
0xad: {  	[dreg:$0x0] =	wrdreg $0x60  }
0xae: {  	[dreg:$0x2] =	wrdreg s24  }
0xaf: {  	[dreg:$0x3] =	wrdreg $0x9  }
0xb0: {  	_ =	task.clear_ibuf [dreg:s6], $0x4FFFF;
	_ =	strace $0x90000046  }
0xb1: {  	s29 =	simm.s32 $0x9;
	_ =	strace $0x80000048  }
0xb2: {  	_ =	swait.ge [sflag:s29], $0x1  }
0xb3: {  	[sflag:s29] =	ssyncadd.s32 $0xFFFFFFFF  }
0xb4: {  	_ =	strace $0x90000048  }
0xb5: {  	_ =	sfence  }
0xb6: {  	s30 =	sld [smem:$0x0];
	_ =	sdelay $0x2  }
0xb7: {  	s31 =	sshll.u32 s1, $0xD;
	s1 =	sshrl.u32 s1, $0x2  }
0xb8: {  	s3 =	sand.u32 $0x4000, s31;
	s1 =	sadd.s32 s1, s30  }
0xb9: {  	s0 =	sor.u32 s3, s0;
	s1 =	sshll.u32 s1, $0x11  }
0xba: {  	s0 =	sor.u32 s1, s0  }
0xbb: {  	s0 =	sadd.s32 $0x8F2B, s0  }
0xbc: {  	[sflag:s0] =	ssyncadd.remote.s32 $0x1  }
0xbd: {  	_ =	sfence.sel $0xFFFF  }
0xbe: {  	[dreg:$0x0] =	wrdreg $0xFFFFFFFF;
	(pc) =	sbr.abs _section_cstart, $3  }
0xbf: {  	[dreg:$0x1] =	wrdreg $0xFFFFFFFF  }
0xc0: {  	_ =	task.clear_ibuf [dreg:s6], $0x2FFFF;
	_ =	strace $0x9FFFFFFF  }
0xc1: {  	(tm) =	ssettm $0x7FFFFFFF  }
tec
execute0_lowered:
.L_overlay_start_1:
0x0: {  	(tag) =	ssettag $0x1  }
0x1: {  	s1 =	srdreg.scid  }
0x2: {  	s0 =	stileid.u32;
	s3 =	sand.u32 $0x1, s1  }
0x3: {  	s5 =	rddreg [dreg:$0x0];
	s4 =	sshll.u32 s0, $0x7;
	s6 =	sshll.u32 s3, $0x6  }
0x4: {  	s2 =	simm.s32 $0x0;
	s1 =	rddreg [dreg:$0x1];
	s4 =	sor.u32 s6, s4  }
0x5: {  	[smem:$0x7FF] =	sst s2;
	s8 =	ssub.s32 $0x2, s3;
	s6 =	sshrl.u32 s4, $0x3  }
0x6: {  	_ =	strace $0x80000047;
	s30 =	sshrl.u32 s8, $0x1;
	s6 =	sadd.s32 s6, s5  }
0x7: {  	s7 =	sshll.u32 s4, $0x4;
	s4 =	sadd.s32 $0x3600, s6;
	s6 =	ssub.s32 s8, s30  }
0x8: {  	[tilespmem:s2], [sflag:$0x1] =	stream.linear.gather [hbm4b:s4+s2], $0x40, $0x38;
	[tilespmem:$0x2080] =	vst v63  }
0x9: {  	s3 =	simm.s32 $0x1;
	s31 =	smax.u32 s6, $0x1  }
0xa: {  	_ =	swait.ge [sflag:s3], $0x40;
	p0 =	sne.s32 s31, $0x1  }
.Ltmp0:
0xb: {  	s5 =	sadd.s32 s7, s5;
	[sflag:s3] =	ssyncset.done $0x0;
	(pc) =	sbr.rel @!p0 .LBB2_2-.Ltmp0, $4  }
0xc: {  	s5 =	sadd.s32 $0x3800, s5;
	s6 =	simm.s32 $0x80;
	[sflag:s3] =	ssyncadd.s32 $0xFFFFFFC0  }
0xd: {  	[hbm4b:s5+s2] =	stream.linear.scatter [tilespmem:s6], [sflag:$0x1], $0x2000, $0x38;
	[tilespmem:$0x2080] =	vst v63  }
0xe: {  	_ =	swait.ge [sflag:s3], $0x2000  }
0xf: {  	s7 =	sadd.s32 $0xFFFFFFFF, s31;
	[sflag:s3] =	ssyncset.done $0x0  }
.LBB2_1:
0x10: {  	p0 =	sne.s32 s7, $0x1;
	s7 =	sadd.s32 $0xFFFFFFFF, s7;
	[sflag:s3] =	ssyncadd.s32 $0xFFFFE000  }
0x11: {  	[tilespmem:s2], [sflag:$0x1] =	stream.linear.gather [hbm4b:s4+s2], $0x40, $0x38;
	[tilespmem:$0x2080] =	vst v63  }
0x12: {  	_ =	swait.ge [sflag:s3], $0x40  }
.Ltmp1:
0x13: {  	[sflag:s3] =	ssyncset.done $0x0;
	(pc) =	sbr.rel @p0 .LBB2_1-.Ltmp1, $4  }
0x14: {  	[sflag:s3] =	ssyncadd.s32 $0xFFFFFFC0  }
0x15: {  	[hbm4b:s5+s2] =	stream.linear.scatter [tilespmem:s6], [sflag:$0x1], $0x2000, $0x38;
	[tilespmem:$0x2080] =	vst v63  }
0x16: {  	_ =	swait.ge [sflag:s3], $0x2000  }
0x17: {  	[sflag:s3] =	ssyncset.done $0x0  }
.LBB2_2:
0x18: {  	[sflag:s3] =	ssyncadd.s32 $0xFFFFE000  }
0x19: {  	_ =	sfence.sel $0x180000  }
0x1a: {  	[bflag:$0x0] =	sbarrier.arrive $0xFFFF  }
0x1b: {  	p0 =	sne.s32 s0, $0x0;
	_ =	strace $0x90000047  }
0x1c: {  	s0 =	sadd.s32 @!p0 $0x100000, s1;
	[bflag:$0x2] =	sbarrier.arrive $0xFFFF  }
0x1d: {  	[sflag:s0] =	ssyncadd.tile.s32 @!p0 $0x1;
	_ =	shalt  }
.Lfunc_end2:
_tile_overlayer_lowered:
.L_overlay_start_2:
0x1e: {  	(tag) =	ssettag $0x2  }
0x1f: {  	s0 =	rddreg [dreg:$0x0];
	s2 =	stileid.u32  }
0x20: {  	s1 =	rddreg [dreg:$0x1];
	p0 =	sne.s32 s2, $0x0  }
0x21: {  	s3 =	rddreg [dreg:$0x2];
	[bflag:$0x3] =	sbarrier.arrive $0xFFFF;
	s2 =	simm.s32 @!p0 $0x1C01  }
0x22: {  	[timem:s3], [sflag:s2] =	dma.local @!p0 [hbm:s0], s1  }
0x23: {  	s0 =	simm.s32 @!p0 $0x1  }
0x24: {  	_ =	swait.ge @!p0 [sflag:s0], s1  }
0x25: {  	s1 =	ssub.s32 @!p0 $0x0, s1;
	[sflag:s0] =	ssyncset.done @!p0 $0x0  }
0x26: {  	[sflag:s0] =	ssyncadd.s32 @!p0 s1  }
0x27: {  	[bflag:$0x3] =	sbarrier.arrive $0xFFFF  }
0x28: {  	_ =	shalt  }

// kernel: kernel.23.cloned.1.call-start
scs
__scs_entry_jumppad:
0x0: {  	(pc) =	sbr.rel $0x88, $3  }
0x1: {  	(tag) =	ssettag $0x0;
	lr =	simm.s32 $0x1  }
0x2: {  	[smem:$0x3F9F] =	sst lr;
	_ =	strace $0xD0000000  }
0x3: {  	_ = 	snop  }
0x4: {  	_ = 	snop  }
0x5: {  	_ = 	snop  }
0x6: {  	_ = 	snop  }
0x7: {  	_ = 	snop  }
__scs_overlays_trampoline_lowered:
0x8: {  	[smem:$0x3FAE] =	sst s0  }
0x9: {  	[smem:$0x3FAF] =	sst s1  }
0xa: {  	[smem:$0x3FB0] =	sst s2  }
0xb: {  	[smem:$0x3FB1] =	sst s3  }
0xc: {  	[smem:$0x3FB2] =	sst s4  }
0xd: {  	[smem:$0x3FB3] =	sst s5  }
0xe: {  	[smem:$0x3FB4] =	sst s6  }
0xf: {  	[smem:$0x3FB5] =	sst s7  }
0x10: {  	[smem:$0x3FB6] =	sst s8  }
0x11: {  	[smem:$0x3FB7] =	sst s9;
	s0 =	simm.s32 @!p0 $0x0  }
0x12: {  	s1 =	sld [smem:$0x3F9D];
	s0 =	simm.s32 @p0 $0x1  }
0x13: {  	[smem:$0x3FB8] =	sst s0;
	s0 =	simm.s32 @!p1 $0x0  }
0x14: {  	s2 =	sld [smem:$0x3F9C];
	s0 =	simm.s32 @p1 $0x1  }
0x15: {  	[smem:$0x3FB9] =	sst s0;
	s0 =	simm.s32 @!p2 $0x0  }
0x16: {  	s3 =	sld [smem:$0x3FDB];
	s0 =	simm.s32 @p2 $0x1  }
0x17: {  	s4 =	simm.s32 $0x1BF5;
	[smem:$0x3FBB] =	sst s0  }
0x18: {  	s0 =	sld [smem:$0x3F9E];
	_ =	swait.ge [sflag:s4], $0x0  }
0x19: {  	s7 =	sld [smem:$0x3F9F]  }
0x1a: {  	s8 =	sadd.s32 $0xFFFFE003, lr  }
0x1b: {  	s9 =	sadd.s32 $0xFFFFFEF7, lr;
	s5 =	simm.s32 $0xFFFFFFFF;
	p2 =	slt.u32 s8, $0xFFFFF086  }
0x1c: {  	p1 =	slt.u32 s9, $0xF7A;
	s5 =	simm.s32 @!p2 $0x0  }
0x1d: {  	s5 =	simm.s32 @p1 $0x1;
	p0 =	seq.s32 s7, s2  }
0x1e: {  	s7 =	smul.u32 @!p0 $0xF7A, s2;
	p2 =	seq.s32 @!p0 s5, $0x0  }
0x1f: {  	s9 =	smul.u32 $0xF7A, s1;
	s8 =	simm.s32 @!p0 $0x1BF5;
	p2 =	por !p2, p0  }
0x20: {  	[sflag:s8] =	ssyncset.s32 @!p0 $0xFFFFF086;
	s6 =	sadd.s32 @!p0 s3, s7;
	s7 =	simm.s32 @!p0 $0x108  }
0x21: {  	s3 =	sadd.s32 s3, s9;
	s6 =	sadd.s32 @!p0 $0x88, s6;
	s7 =	simm.s32 @p2 $0x1082  }
0x22: {  	[simem:s7], [sflag:s8] =	dma.local @!p0 [hbm:s6], $0xF7A  }
0x23: {  	s9 =	sor.u32 $0xD0000000, s2;
	s6 =	simm.s32 $0x108;
	_ =	swait.ge @!p0 [sflag:s8], $0x0  }
0x24: {  	s3 =	sadd.s32 $0x88, s3;
	s6 =	simm.s32 @!p1 $0x1082;
	[sflag:s4] =	ssyncset.s32 $0xFFFFF086  }
0x25: {  	[simem:s6], [sflag:s4] =	dma.local [hbm:s3], $0xF7A  }
0x26: {  	[smem:$0x3F9F] =	sst s1;
	(tag) =	ssettag s2;
	_ =	strace s9  }
0x27: {  	s1 =	sld [smem:$0x3FAF]  }
0x28: {  	s2 =	sld [smem:$0x3FB0]  }
0x29: {  	s4 =	sld [smem:$0x3FB2]  }
0x2a: {  	p0 =	seq.s32 s5, $0x0;
	s5 =	sld [smem:$0x3FB3]  }
0x2b: {  	s6 =	sld [smem:$0x3FB4]  }
0x2c: {  	s7 =	sld [smem:$0x3FB5]  }
0x2d: {  	s3 =	simm.s32 $0x108;
	s8 =	sld [smem:$0x3FB6]  }
0x2e: {  	s3 =	simm.s32 @!p0 $0x1082;
	s9 =	sld [smem:$0x3FB7]  }
0x2f: {  	lr =	sadd.s32 s0, s3;
	s0 =	sld [smem:$0x3FAE]  }
0x30: {  	s3 =	sld [smem:$0x3FB1]  }
0x31: {  	[smem:$0x3FBA] =	sst s10  }
0x32: {  	s10 =	sld [smem:$0x3FB8];
	_ =	sdelay $0x3  }
0x33: {  	p0 =	seq.s32 s10, $0x1;
	s10 =	sld [smem:$0x3FBA];
	_ =	sdelay $0x3  }
0x34: {  	[smem:$0x3FBA] =	sst s10  }
0x35: {  	s10 =	sld [smem:$0x3FB9];
	_ =	sdelay $0x3  }
0x36: {  	p1 =	seq.s32 s10, $0x1;
	s10 =	sld [smem:$0x3FBA];
	_ =	sdelay $0x3  }
0x37: {  	[smem:$0x3FBA] =	sst s10  }
0x38: {  	s10 =	sld [smem:$0x3FBB]  }
0x39: {  	_ = 	snop;
	(pc) =	sbr.ind lr, $3  }
0x3a: {  	_ = 	snop  }
0x3b: {  	_ = 	snop  }
0x3c: {  	p2 =	seq.s32 s10, $0x1;
	s10 =	sld [smem:$0x3FBA]  }
0x3d: {  	_ =	shalt  }
0x3e: {  	_ =	shalt  }
0x3f: {  	_ =	shalt  }
0x40: {  	_ =	shalt  }
0x41: {  	_ =	shalt  }
0x42: {  	_ =	shalt  }
0x43: {  	_ =	shalt  }
0x44: {  	_ =	shalt  }
0x45: {  	_ =	shalt  }
0x46: {  	_ =	shalt  }
0x47: {  	_ =	shalt  }
0x48: {  	_ =	shalt  }
0x49: {  	_ =	shalt  }
0x4a: {  	_ =	shalt  }
0x4b: {  	_ =	shalt  }
0x4c: {  	_ =	shalt  }
0x4d: {  	_ =	shalt  }
0x4e: {  	_ =	shalt  }
0x4f: {  	_ =	shalt  }
0x50: {  	_ =	shalt  }
0x51: {  	_ =	shalt  }
0x52: {  	_ =	shalt  }
0x53: {  	_ =	shalt  }
0x54: {  	_ =	shalt  }
0x55: {  	_ =	shalt  }
0x56: {  	_ =	shalt  }
0x57: {  	_ =	shalt  }
0x58: {  	_ =	shalt  }
0x59: {  	_ =	shalt  }
0x5a: {  	_ =	shalt  }
0x5b: {  	_ =	shalt  }
0x5c: {  	_ =	shalt  }
0x5d: {  	_ =	shalt  }
0x5e: {  	_ =	shalt  }
0x5f: {  	_ =	shalt  }
0x60: {  	_ =	shalt  }
0x61: {  	_ =	shalt  }
0x62: {  	_ =	shalt  }
0x63: {  	_ =	shalt  }
0x64: {  	_ =	shalt  }
0x65: {  	_ =	shalt  }
0x66: {  	_ =	shalt  }
0x67: {  	_ =	shalt  }
0x68: {  	_ =	shalt  }
0x69: {  	_ =	shalt  }
0x6a: {  	_ =	shalt  }
0x6b: {  	_ =	shalt  }
0x6c: {  	_ =	shalt  }
0x6d: {  	_ =	shalt  }
0x6e: {  	_ =	shalt  }
0x6f: {  	_ =	shalt  }
0x70: {  	_ =	shalt  }
0x71: {  	_ =	shalt  }
0x72: {  	_ =	shalt  }
0x73: {  	_ =	shalt  }
0x74: {  	_ =	shalt  }
0x75: {  	_ =	shalt  }
0x76: {  	_ =	shalt  }
0x77: {  	_ =	shalt  }
0x78: {  	_ =	shalt  }
0x79: {  	_ =	shalt  }
0x7a: {  	_ =	shalt  }
0x7b: {  	_ =	shalt  }
0x7c: {  	_ =	shalt  }
0x7d: {  	_ =	shalt  }
0x7e: {  	_ =	shalt  }
0x7f: {  	_ =	shalt  }
0x80: {  	_ =	shalt  }
0x81: {  	_ =	shalt  }
0x82: {  	_ =	shalt  }
0x83: {  	_ =	shalt  }
0x84: {  	_ =	shalt  }
0x85: {  	_ =	shalt  }
0x86: {  	_ =	shalt  }
0x87: {  	_ =	shalt  }
.Lfunc_end0:
.L_simem_size_0:
called_computation.1_lowered:
.L_overlay_start_0:
0x88: {  	s2 =	sld [smem:$0x3FD9]  }
0x89: {  	s3 =	sld [smem:$0x3FFE];
	_ =	sdelay $0x1  }
0x8a: {  	s1 =	srdreg.scid  }
0x8b: {  	s0 =	sand.u32 $0x1, s1  }
0x8c: {  	s17 =	sshll.u32 s0, $0xA;
	s2 =	sadd.s32 s3, s2  }
0x8d: {  	s2 =	sadd.s32 s2, s17  }
0x8e: {  	[smem:$0x3FC6] =	sst s2  }
0x8f: {  	_ = 	snop  }
0x90: {  	(tm) =	ssettm $0x1  }
0x91: {  	s18 =	sld [smem:$0x3FFB];
	_ =	sdelay $0x3  }
0x92: {  	_ =	strace s18  }
0x93: {  	s2 =	sld [smem:$0x3FFC];
	_ =	sdelay $0x3  }
0x94: {  	_ =	strace s2  }
0x95: {  	s2 =	sld [smem:$0x3FFD];
	_ =	sdelay $0x3  }
0x96: {  	_ =	strace s2  }
0x97: {  	_ =	strace $0x8FFFFFFF  }
0x98: {  	s19 =	sld [smem:$0x3FDB];
	_ =	sdelay $0x1  }
0x99: {  	s20 =	simm.s32 $_scs_section_size  }
0x9a: {  	s4 =	simm.s32 $_size__tile_overlayer_lowered;
	s5 =	simm.s32 $_tile_overlayer_lowered  }
0x9b: {  	s6 =	simm.s32 $0x1BFF;
	s21 =	sshll.u32 s5, $0x1;
	s3 =	sadd.s32 s20, s19  }
0x9c: {  	s22 =	simm.s32 $0x0;
	s4 =	sshll.u32 s4, $0x1;
	s5 =	sadd.s32 s21, s3  }
0x9d: {  	[timem:s22], [sflag:s6] =	dma.local [hbm:s5], s4  }
0x9e: {  	_ =	swait.ge [sflag:s6], s4  }
0x9f: {  	s4 =	ssub.s32 $0x0, s4;
	[sflag:s6] =	ssyncset.done $0x0  }
0xa0: {  	[sflag:s6] =	ssyncadd.s32 s4;
	_ =	sdelay $0x1  }
0xa1: {  	s23 =	simm.s32 $0x1B8B  }
0xa2: {  	_ =	swait.ge [sflag:s23], $0x1  }
0xa3: {  	[sflag:s23] =	ssyncset.done $0x0  }
0xa4: {  	[sflag:s23] =	ssyncadd.s32 $0xFFFFFFFF  }
0xa5: {  	s4 =	sld [smem:$0x0]  }
0xa6: {  	s5 =	sand.u32 $0xFFFFFFFE, s1  }
0xa7: {  	p0 =	sne.s32 s1, s5  }
0xa8: {  	s5 =	sshll.u32 @p0 s5, $0xE  }
0xa9: {  	s5 =	sadd.s32 @p0 $0x11B8D, s5;
	s6 =	sshll.u32 @p0 s4, $0x11  }
0xaa: {  	s5 =	sor.u32 @p0 s6, s5  }
0xab: {  	[sflag:s5] =	ssyncadd.remote.s32 @p0 $0x1;
	_ =	sdelay $0x1  }
0xac: {  	s5 =	simm.s32 @p0 $0x1B8D  }
0xad: {  	_ =	swait.eq @p0 [sflag:s5], $0x1  }
0xae: {  	[sflag:s5] =	ssyncadd.s32 @p0 $0xFFFFFFFF  }
0xaf: {  	s6 =	sshll.u32 @!p0 s1, $0xE  }
0xb0: {  	s6 =	sor.u32 @!p0 $0x4000, s6;
	s5 =	simm.s32 @!p0 $0x1B8D  }
0xb1: {  	s4 =	sshll.u32 @!p0 s4, $0x11;
	s6 =	sadd.s32 @!p0 $0x11B8D, s6;
	_ =	swait.eq @!p0 [sflag:s5], $0x1  }
0xb2: {  	s4 =	sor.u32 @!p0 s4, s6;
	[sflag:s5] =	ssyncadd.s32 @!p0 $0xFFFFFFFF  }
0xb3: {  	s25 =	simm.s32 $0x1B8E;
	s24 =	sld [smem:$0x3FFE];
	[sflag:s4] =	ssyncadd.remote.s32 @!p0 $0x1  }
0xb4: {  	s26 =	simm.s32 $execute0_lowered;
	[smem:$0x3FD2] =	sst s25  }
0xb5: {  	s5 =	sshll.u32 s26, $0x1;
	_ =	strace $0x80000049;
	[dreg:$0x1] =	wrdreg $0xFFFFFFFF  }
0xb6: {  	s28 =	simm.s32 $_size_execute0_lowered;
	s3 =	sadd.s32 s3, s5;
	[dreg:$0x0] =	wrdreg $0x0  }
0xb7: {  	s5 =	sshll.u32 s28, $0x1;
	[dreg:$0x2] =	wrdreg s3  }
0xb8: {  	[dreg:$0x3] =	wrdreg s5  }
0xb9: {  	[dreg:$0x4] =	wrdreg $0xC0  }
0xba: {  	_ =	task [dreg:s22], $0x5FFFF  }
0xbb: {  	[dreg:$0x1] =	wrdreg $0xFFFFFFFF  }
0xbc: {  	[dreg:$0x0] =	wrdreg $0x60  }
0xbd: {  	[dreg:$0x2] =	wrdreg s24  }
0xbe: {  	[dreg:$0x3] =	wrdreg $0xA  }
0xbf: {  	_ =	task.clear_ibuf [dreg:s22], $0x4FFFF;
	_ =	strace $0x90000049  }
0xc0: {  	s29 =	simm.s32 $0xA;
	_ =	strace $0x8000004B  }
0xc1: {  	_ =	swait.ge [sflag:s29], $0x1  }
0xc2: {  	[sflag:s29] =	ssyncadd.s32 $0xFFFFFFFF  }
0xc3: {  	_ =	strace $0x9000004B  }
0xc4: {  	_ =	sfence  }
0xc5: {  	s30 =	sld [smem:$0x0];
	_ =	sdelay $0x2  }
0xc6: {  	s31 =	sshll.u32 s1, $0xD;
	s1 =	sshrl.u32 s1, $0x2  }
0xc7: {  	s4 =	sand.u32 $0x4000, s31;
	s1 =	sadd.s32 s1, s30  }
0xc8: {  	s0 =	sor.u32 s4, s0;
	s1 =	sshll.u32 s1, $0x11  }
0xc9: {  	s0 =	sor.u32 s1, s0  }
0xca: {  	s0 =	sadd.s32 $0x8F2B, s0  }
0xcb: {  	[sflag:s0] =	ssyncadd.remote.s32 $0x1  }
0xcc: {  	_ =	sfence.sel $0xFFFF  }
0xcd: {  	[dreg:$0x0] =	wrdreg $0xFFFFFFFF;
	(pc) =	sbr.abs _section_cstart, $3  }
0xce: {  	[dreg:$0x1] =	wrdreg $0xFFFFFFFF  }
0xcf: {  	_ =	task.clear_ibuf [dreg:s22], $0x2FFFF;
	_ =	strace $0x9FFFFFFF  }
0xd0: {  	(tm) =	ssettm $0x7FFFFFFF  }
0xd1: {  	_ =	shalt  }
tec
execute0_lowered:
.L_overlay_start_1:
0x0: {  	(tag) =	ssettag $0x1  }
0x1: {  	s1 =	srdreg.scid  }
0x2: {  	s0 =	stileid.u32;
	s3 =	sand.u32 $0x1, s1  }
0x3: {  	s5 =	rddreg [dreg:$0x0];
	s4 =	sshll.u32 s0, $0x7;
	s6 =	sshll.u32 s3, $0x6  }
0x4: {  	s2 =	simm.s32 $0x0;
	s1 =	rddreg [dreg:$0x1];
	s4 =	sor.u32 s6, s4  }
0x5: {  	[smem:$0x7FF] =	sst s2;
	s8 =	ssub.s32 $0x2, s3;
	s6 =	sshrl.u32 s4, $0x3  }
0x6: {  	_ =	strace $0x8000004A;
	s30 =	sshrl.u32 s8, $0x1;
	s6 =	sadd.s32 s6, s5  }
0x7: {  	s7 =	sshll.u32 s4, $0x4;
	s4 =	sadd.s32 $0xB800, s6;
	s6 =	ssub.s32 s8, s30  }
0x8: {  	[tilespmem:s2], [sflag:$0x1] =	stream.linear.gather [hbm4b:s4+s2], $0x40, $0x38;
	[tilespmem:$0x2080] =	vst v63  }
0x9: {  	s3 =	simm.s32 $0x1;
	s31 =	smax.u32 s6, $0x1  }
0xa: {  	_ =	swait.ge [sflag:s3], $0x40;
	p0 =	sne.s32 s31, $0x1  }
.Ltmp0:
0xb: {  	s5 =	sadd.s32 s7, s5;
	[sflag:s3] =	ssyncset.done $0x0;
	(pc) =	sbr.rel @!p0 .LBB2_2-.Ltmp0, $4  }
0xc: {  	s5 =	sadd.s32 $0xBA00, s5;
	s6 =	simm.s32 $0x80;
	[sflag:s3] =	ssyncadd.s32 $0xFFFFFFC0  }
0xd: {  	[hbm4b:s5+s2] =	stream.linear.scatter [tilespmem:s6], [sflag:$0x1], $0x2000, $0x38;
	[tilespmem:$0x2080] =	vst v63  }
0xe: {  	_ =	swait.ge [sflag:s3], $0x2000  }
0xf: {  	s7 =	sadd.s32 $0xFFFFFFFF, s31;
	[sflag:s3] =	ssyncset.done $0x0  }
.LBB2_1:
0x10: {  	p0 =	sne.s32 s7, $0x1;
	s7 =	sadd.s32 $0xFFFFFFFF, s7;
	[sflag:s3] =	ssyncadd.s32 $0xFFFFE000  }
0x11: {  	[tilespmem:s2], [sflag:$0x1] =	stream.linear.gather [hbm4b:s4+s2], $0x40, $0x38;
	[tilespmem:$0x2080] =	vst v63  }
0x12: {  	_ =	swait.ge [sflag:s3], $0x40  }
.Ltmp1:
0x13: {  	[sflag:s3] =	ssyncset.done $0x0;
	(pc) =	sbr.rel @p0 .LBB2_1-.Ltmp1, $4  }
0x14: {  	[sflag:s3] =	ssyncadd.s32 $0xFFFFFFC0  }
0x15: {  	[hbm4b:s5+s2] =	stream.linear.scatter [tilespmem:s6], [sflag:$0x1], $0x2000, $0x38;
	[tilespmem:$0x2080] =	vst v63  }
0x16: {  	_ =	swait.ge [sflag:s3], $0x2000  }
0x17: {  	[sflag:s3] =	ssyncset.done $0x0  }
.LBB2_2:
0x18: {  	[sflag:s3] =	ssyncadd.s32 $0xFFFFE000  }
0x19: {  	_ =	sfence.sel $0x180000  }
0x1a: {  	[bflag:$0x0] =	sbarrier.arrive $0xFFFF  }
0x1b: {  	p0 =	sne.s32 s0, $0x0;
	_ =	strace $0x9000004A  }
0x1c: {  	s0 =	sadd.s32 @!p0 $0x100000, s1;
	[bflag:$0x2] =	sbarrier.arrive $0xFFFF  }
0x1d: {  	[sflag:s0] =	ssyncadd.tile.s32 @!p0 $0x1;
	_ =	shalt  }
.Lfunc_end2:
_tile_overlayer_lowered:
.L_overlay_start_2:
0x1e: {  	(tag) =	ssettag $0x2  }
0x1f: {  	s0 =	rddreg [dreg:$0x0];
	s2 =	stileid.u32  }
0x20: {  	s1 =	rddreg [dreg:$0x1];
	p0 =	sne.s32 s2, $0x0  }
0x21: {  	s3 =	rddreg [dreg:$0x2];
	[bflag:$0x3] =	sbarrier.arrive $0xFFFF;
	s2 =	simm.s32 @!p0 $0x1C01  }
0x22: {  	[timem:s3], [sflag:s2] =	dma.local @!p0 [hbm:s0], s1  }
0x23: {  	s0 =	simm.s32 @!p0 $0x1  }
0x24: {  	_ =	swait.ge @!p0 [sflag:s0], s1  }
0x25: {  	s1 =	ssub.s32 @!p0 $0x0, s1;
	[sflag:s0] =	ssyncset.done @!p0 $0x0  }
0x26: {  	[sflag:s0] =	ssyncadd.s32 @!p0 s1  }
0x27: {  	[bflag:$0x3] =	sbarrier.arrive $0xFFFF  }
0x28: {  	_ =	shalt  }

// kernel: kernel.26.cloned.1.call-start
scs
__scs_entry_jumppad:
0x0: {  	(pc) =	sbr.rel $0x88, $3  }
0x1: {  	(tag) =	ssettag $0x0;
	lr =	simm.s32 $0x1  }
0x2: {  	[smem:$0x3F9F] =	sst lr;
	_ =	strace $0xD0000000  }
0x3: {  	_ = 	snop  }
0x4: {  	_ = 	snop  }
0x5: {  	_ = 	snop  }
0x6: {  	_ = 	snop  }
0x7: {  	_ = 	snop  }
__scs_overlays_trampoline_lowered:
0x8: {  	[smem:$0x3FAE] =	sst s0  }
0x9: {  	[smem:$0x3FAF] =	sst s1  }
0xa: {  	[smem:$0x3FB0] =	sst s2  }
0xb: {  	[smem:$0x3FB1] =	sst s3  }
0xc: {  	[smem:$0x3FB2] =	sst s4  }
0xd: {  	[smem:$0x3FB3] =	sst s5  }
0xe: {  	[smem:$0x3FB4] =	sst s6  }
0xf: {  	[smem:$0x3FB5] =	sst s7  }
0x10: {  	[smem:$0x3FB6] =	sst s8  }
0x11: {  	[smem:$0x3FB7] =	sst s9;
	s0 =	simm.s32 @!p0 $0x0  }
0x12: {  	s1 =	sld [smem:$0x3F9D];
	s0 =	simm.s32 @p0 $0x1  }
0x13: {  	[smem:$0x3FB8] =	sst s0;
	s0 =	simm.s32 @!p1 $0x0  }
0x14: {  	s2 =	sld [smem:$0x3F9C];
	s0 =	simm.s32 @p1 $0x1  }
0x15: {  	[smem:$0x3FB9] =	sst s0;
	s0 =	simm.s32 @!p2 $0x0  }
0x16: {  	s3 =	sld [smem:$0x3FDB];
	s0 =	simm.s32 @p2 $0x1  }
0x17: {  	s4 =	simm.s32 $0x1BF5;
	[smem:$0x3FBB] =	sst s0  }
0x18: {  	s0 =	sld [smem:$0x3F9E];
	_ =	swait.ge [sflag:s4], $0x0  }
0x19: {  	s7 =	sld [smem:$0x3F9F]  }
0x1a: {  	s8 =	sadd.s32 $0xFFFFE003, lr  }
0x1b: {  	s9 =	sadd.s32 $0xFFFFFEF7, lr;
	s5 =	simm.s32 $0xFFFFFFFF;
	p2 =	slt.u32 s8, $0xFFFFF086  }
0x1c: {  	p1 =	slt.u32 s9, $0xF7A;
	s5 =	simm.s32 @!p2 $0x0  }
0x1d: {  	s5 =	simm.s32 @p1 $0x1;
	p0 =	seq.s32 s7, s2  }
0x1e: {  	s7 =	smul.u32 @!p0 $0xF7A, s2;
	p2 =	seq.s32 @!p0 s5, $0x0  }
0x1f: {  	s9 =	smul.u32 $0xF7A, s1;
	s8 =	simm.s32 @!p0 $0x1BF5;
	p2 =	por !p2, p0  }
0x20: {  	[sflag:s8] =	ssyncset.s32 @!p0 $0xFFFFF086;
	s6 =	sadd.s32 @!p0 s3, s7;
	s7 =	simm.s32 @!p0 $0x108  }
0x21: {  	s3 =	sadd.s32 s3, s9;
	s6 =	sadd.s32 @!p0 $0x88, s6;
	s7 =	simm.s32 @p2 $0x1082  }
0x22: {  	[simem:s7], [sflag:s8] =	dma.local @!p0 [hbm:s6], $0xF7A  }
0x23: {  	s9 =	sor.u32 $0xD0000000, s2;
	s6 =	simm.s32 $0x108;
	_ =	swait.ge @!p0 [sflag:s8], $0x0  }
0x24: {  	s3 =	sadd.s32 $0x88, s3;
	s6 =	simm.s32 @!p1 $0x1082;
	[sflag:s4] =	ssyncset.s32 $0xFFFFF086  }
0x25: {  	[simem:s6], [sflag:s4] =	dma.local [hbm:s3], $0xF7A  }
0x26: {  	[smem:$0x3F9F] =	sst s1;
	(tag) =	ssettag s2;
	_ =	strace s9  }
0x27: {  	s1 =	sld [smem:$0x3FAF]  }
0x28: {  	s2 =	sld [smem:$0x3FB0]  }
0x29: {  	s4 =	sld [smem:$0x3FB2]  }
0x2a: {  	p0 =	seq.s32 s5, $0x0;
	s5 =	sld [smem:$0x3FB3]  }
0x2b: {  	s6 =	sld [smem:$0x3FB4]  }
0x2c: {  	s7 =	sld [smem:$0x3FB5]  }
0x2d: {  	s3 =	simm.s32 $0x108;
	s8 =	sld [smem:$0x3FB6]  }
0x2e: {  	s3 =	simm.s32 @!p0 $0x1082;
	s9 =	sld [smem:$0x3FB7]  }
0x2f: {  	lr =	sadd.s32 s0, s3;
	s0 =	sld [smem:$0x3FAE]  }
0x30: {  	s3 =	sld [smem:$0x3FB1]  }
0x31: {  	[smem:$0x3FBA] =	sst s10  }
0x32: {  	s10 =	sld [smem:$0x3FB8];
	_ =	sdelay $0x3  }
0x33: {  	p0 =	seq.s32 s10, $0x1;
	s10 =	sld [smem:$0x3FBA];
	_ =	sdelay $0x3  }
0x34: {  	[smem:$0x3FBA] =	sst s10  }
0x35: {  	s10 =	sld [smem:$0x3FB9];
	_ =	sdelay $0x3  }
0x36: {  	p1 =	seq.s32 s10, $0x1;
	s10 =	sld [smem:$0x3FBA];
	_ =	sdelay $0x3  }
0x37: {  	[smem:$0x3FBA] =	sst s10  }
0x38: {  	s10 =	sld [smem:$0x3FBB]  }
0x39: {  	_ = 	snop;
	(pc) =	sbr.ind lr, $3  }
0x3a: {  	_ = 	snop  }
0x3b: {  	_ = 	snop  }
0x3c: {  	p2 =	seq.s32 s10, $0x1;
	s10 =	sld [smem:$0x3FBA]  }
0x3d: {  	_ =	shalt  }
0x3e: {  	_ =	shalt  }
0x3f: {  	_ =	shalt  }
0x40: {  	_ =	shalt  }
0x41: {  	_ =	shalt  }
0x42: {  	_ =	shalt  }
0x43: {  	_ =	shalt  }
0x44: {  	_ =	shalt  }
0x45: {  	_ =	shalt  }
0x46: {  	_ =	shalt  }
0x47: {  	_ =	shalt  }
0x48: {  	_ =	shalt  }
0x49: {  	_ =	shalt  }
0x4a: {  	_ =	shalt  }
0x4b: {  	_ =	shalt  }
0x4c: {  	_ =	shalt  }
0x4d: {  	_ =	shalt  }
0x4e: {  	_ =	shalt  }
0x4f: {  	_ =	shalt  }
0x50: {  	_ =	shalt  }
0x51: {  	_ =	shalt  }
0x52: {  	_ =	shalt  }
0x53: {  	_ =	shalt  }
0x54: {  	_ =	shalt  }
0x55: {  	_ =	shalt  }
0x56: {  	_ =	shalt  }
0x57: {  	_ =	shalt  }
0x58: {  	_ =	shalt  }
0x59: {  	_ =	shalt  }
0x5a: {  	_ =	shalt  }
0x5b: {  	_ =	shalt  }
0x5c: {  	_ =	shalt  }
0x5d: {  	_ =	shalt  }
0x5e: {  	_ =	shalt  }
0x5f: {  	_ =	shalt  }
0x60: {  	_ =	shalt  }
0x61: {  	_ =	shalt  }
0x62: {  	_ =	shalt  }
0x63: {  	_ =	shalt  }
0x64: {  	_ =	shalt  }
0x65: {  	_ =	shalt  }
0x66: {  	_ =	shalt  }
0x67: {  	_ =	shalt  }
0x68: {  	_ =	shalt  }
0x69: {  	_ =	shalt  }
0x6a: {  	_ =	shalt  }
0x6b: {  	_ =	shalt  }
0x6c: {  	_ =	shalt  }
0x6d: {  	_ =	shalt  }
0x6e: {  	_ =	shalt  }
0x6f: {  	_ =	shalt  }
0x70: {  	_ =	shalt  }
0x71: {  	_ =	shalt  }
0x72: {  	_ =	shalt  }
0x73: {  	_ =	shalt  }
0x74: {  	_ =	shalt  }
0x75: {  	_ =	shalt  }
0x76: {  	_ =	shalt  }
0x77: {  	_ =	shalt  }
0x78: {  	_ =	shalt  }
0x79: {  	_ =	shalt  }
0x7a: {  	_ =	shalt  }
0x7b: {  	_ =	shalt  }
0x7c: {  	_ =	shalt  }
0x7d: {  	_ =	shalt  }
0x7e: {  	_ =	shalt  }
0x7f: {  	_ =	shalt  }
0x80: {  	_ =	shalt  }
0x81: {  	_ =	shalt  }
0x82: {  	_ =	shalt  }
0x83: {  	_ =	shalt  }
0x84: {  	_ =	shalt  }
0x85: {  	_ =	shalt  }
0x86: {  	_ =	shalt  }
0x87: {  	_ =	shalt  }
.Lfunc_end0:
.L_simem_size_0:
called_computation.2_lowered:
.L_overlay_start_0:
0x88: {  	s2 =	sld [smem:$0x3FD9]  }
0x89: {  	s3 =	sld [smem:$0x3FFE];
	_ =	sdelay $0x1  }
0x8a: {  	s1 =	srdreg.scid  }
0x8b: {  	s0 =	sand.u32 $0x1, s1  }
0x8c: {  	s17 =	sshll.u32 s0, $0xA;
	s2 =	sadd.s32 s3, s2  }
0x8d: {  	s2 =	sadd.s32 s2, s17  }
0x8e: {  	[smem:$0x3FC6] =	sst s2  }
0x8f: {  	_ = 	snop  }
0x90: {  	(tm) =	ssettm $0x1  }
0x91: {  	s18 =	sld [smem:$0x3FFB];
	_ =	sdelay $0x3  }
0x92: {  	_ =	strace s18  }
0x93: {  	s2 =	sld [smem:$0x3FFC];
	_ =	sdelay $0x3  }
0x94: {  	_ =	strace s2  }
0x95: {  	s2 =	sld [smem:$0x3FFD];
	_ =	sdelay $0x3  }
0x96: {  	_ =	strace s2  }
0x97: {  	_ =	strace $0x8FFFFFFF  }
0x98: {  	s19 =	sld [smem:$0x3FDB];
	_ =	sdelay $0x1  }
0x99: {  	s20 =	simm.s32 $_scs_section_size  }
0x9a: {  	s4 =	simm.s32 $_size__tile_overlayer_lowered;
	s5 =	simm.s32 $_tile_overlayer_lowered  }
0x9b: {  	s6 =	simm.s32 $0x1BFF;
	s21 =	sshll.u32 s5, $0x1;
	s3 =	sadd.s32 s20, s19  }
0x9c: {  	s22 =	simm.s32 $0x0;
	s4 =	sshll.u32 s4, $0x1;
	s5 =	sadd.s32 s21, s3  }
0x9d: {  	[timem:s22], [sflag:s6] =	dma.local [hbm:s5], s4  }
0x9e: {  	_ =	swait.ge [sflag:s6], s4  }
0x9f: {  	s4 =	ssub.s32 $0x0, s4;
	[sflag:s6] =	ssyncset.done $0x0  }
0xa0: {  	[sflag:s6] =	ssyncadd.s32 s4;
	_ =	sdelay $0x1  }
0xa1: {  	s23 =	simm.s32 $0x1B8B  }
0xa2: {  	_ =	swait.ge [sflag:s23], $0x1  }
0xa3: {  	[sflag:s23] =	ssyncset.done $0x0  }
0xa4: {  	[sflag:s23] =	ssyncadd.s32 $0xFFFFFFFF  }
0xa5: {  	s4 =	sld [smem:$0x0]  }
0xa6: {  	s5 =	sand.u32 $0xFFFFFFFE, s1  }
0xa7: {  	p0 =	sne.s32 s1, s5  }
0xa8: {  	s5 =	sshll.u32 @p0 s5, $0xE  }
0xa9: {  	s5 =	sadd.s32 @p0 $0x11B8D, s5;
	s6 =	sshll.u32 @p0 s4, $0x11  }
0xaa: {  	s5 =	sor.u32 @p0 s6, s5  }
0xab: {  	[sflag:s5] =	ssyncadd.remote.s32 @p0 $0x1;
	_ =	sdelay $0x1  }
0xac: {  	s5 =	simm.s32 @p0 $0x1B8D  }
0xad: {  	_ =	swait.eq @p0 [sflag:s5], $0x1  }
0xae: {  	[sflag:s5] =	ssyncadd.s32 @p0 $0xFFFFFFFF  }
0xaf: {  	s6 =	sshll.u32 @!p0 s1, $0xE  }
0xb0: {  	s6 =	sor.u32 @!p0 $0x4000, s6;
	s5 =	simm.s32 @!p0 $0x1B8D  }
0xb1: {  	s4 =	sshll.u32 @!p0 s4, $0x11;
	s6 =	sadd.s32 @!p0 $0x11B8D, s6;
	_ =	swait.eq @!p0 [sflag:s5], $0x1  }
0xb2: {  	s4 =	sor.u32 @!p0 s4, s6;
	[sflag:s5] =	ssyncadd.s32 @!p0 $0xFFFFFFFF  }
0xb3: {  	s25 =	simm.s32 $0x1B8E;
	s24 =	sld [smem:$0x3FFE];
	[sflag:s4] =	ssyncadd.remote.s32 @!p0 $0x1  }
0xb4: {  	s26 =	simm.s32 $execute0_lowered;
	[smem:$0x3FD2] =	sst s25  }
0xb5: {  	s5 =	sshll.u32 s26, $0x1;
	_ =	strace $0x8000004C;
	[dreg:$0x1] =	wrdreg $0xFFFFFFFF  }
0xb6: {  	s28 =	simm.s32 $_size_execute0_lowered;
	s3 =	sadd.s32 s3, s5;
	[dreg:$0x0] =	wrdreg $0x0  }
0xb7: {  	s5 =	sshll.u32 s28, $0x1;
	[dreg:$0x2] =	wrdreg s3  }
0xb8: {  	[dreg:$0x3] =	wrdreg s5  }
0xb9: {  	[dreg:$0x4] =	wrdreg $0xC0  }
0xba: {  	_ =	task [dreg:s22], $0x5FFFF  }
0xbb: {  	[dreg:$0x1] =	wrdreg $0xFFFFFFFF  }
0xbc: {  	[dreg:$0x0] =	wrdreg $0x60  }
0xbd: {  	[dreg:$0x2] =	wrdreg s24  }
0xbe: {  	[dreg:$0x3] =	wrdreg $0xB  }
0xbf: {  	_ =	task.clear_ibuf [dreg:s22], $0x4FFFF;
	_ =	strace $0x9000004C  }
0xc0: {  	s29 =	simm.s32 $0xB;
	_ =	strace $0x8000004E  }
0xc1: {  	_ =	swait.ge [sflag:s29], $0x1  }
0xc2: {  	[sflag:s29] =	ssyncadd.s32 $0xFFFFFFFF  }
0xc3: {  	_ =	strace $0x9000004E  }
0xc4: {  	_ =	sfence  }
0xc5: {  	s30 =	sld [smem:$0x0];
	_ =	sdelay $0x2  }
0xc6: {  	s31 =	sshll.u32 s1, $0xD;
	s1 =	sshrl.u32 s1, $0x2  }
0xc7: {  	s4 =	sand.u32 $0x4000, s31;
	s1 =	sadd.s32 s1, s30  }
0xc8: {  	s0 =	sor.u32 s4, s0;
	s1 =	sshll.u32 s1, $0x11  }
0xc9: {  	s0 =	sor.u32 s1, s0  }
0xca: {  	s0 =	sadd.s32 $0x8F2B, s0  }
0xcb: {  	[sflag:s0] =	ssyncadd.remote.s32 $0x1  }
0xcc: {  	_ =	sfence.sel $0xFFFF  }
0xcd: {  	[dreg:$0x0] =	wrdreg $0xFFFFFFFF;
	(pc) =	sbr.abs _section_cstart, $3  }
0xce: {  	[dreg:$0x1] =	wrdreg $0xFFFFFFFF  }
0xcf: {  	_ =	task.clear_ibuf [dreg:s22], $0x2FFFF;
	_ =	strace $0x9FFFFFFF  }
0xd0: {  	(tm) =	ssettm $0x7FFFFFFF  }
0xd1: {  	_ =	shalt  }
tec
execute0_lowered:
.L_overlay_start_1:
0x0: {  	(tag) =	ssettag $0x1  }
0x1: {  	s1 =	srdreg.scid  }
0x2: {  	s0 =	stileid.u32;
	s3 =	sand.u32 $0x1, s1  }
0x3: {  	s5 =	rddreg [dreg:$0x0];
	s4 =	sshll.u32 s0, $0x7;
	s6 =	sshll.u32 s3, $0x6  }
0x4: {  	s2 =	simm.s32 $0x0;
	s1 =	rddreg [dreg:$0x1];
	s4 =	sor.u32 s6, s4  }
0x5: {  	[smem:$0x7FF] =	sst s2;
	s8 =	ssub.s32 $0x2, s3;
	s6 =	sshrl.u32 s4, $0x3  }
0x6: {  	_ =	strace $0x8000004D;
	s30 =	sshrl.u32 s8, $0x1;
	s6 =	sadd.s32 s6, s5  }
0x7: {  	s7 =	sshll.u32 s4, $0x4;
	s4 =	sadd.s32 $0x13A00, s6;
	s6 =	ssub.s32 s8, s30  }
0x8: {  	[tilespmem:s2], [sflag:$0x1] =	stream.linear.gather [hbm4b:s4+s2], $0x40, $0x38;
	[tilespmem:$0x2080] =	vst v63  }
0x9: {  	s3 =	simm.s32 $0x1;
	s31 =	smax.u32 s6, $0x1  }
0xa: {  	_ =	swait.ge [sflag:s3], $0x40;
	p0 =	sne.s32 s31, $0x1  }
.Ltmp0:
0xb: {  	s5 =	sadd.s32 s7, s5;
	[sflag:s3] =	ssyncset.done $0x0;
	(pc) =	sbr.rel @!p0 .LBB2_2-.Ltmp0, $4  }
0xc: {  	s5 =	sadd.s32 $0x13C00, s5;
	s6 =	simm.s32 $0x80;
	[sflag:s3] =	ssyncadd.s32 $0xFFFFFFC0  }
0xd: {  	[hbm4b:s5+s2] =	stream.linear.scatter [tilespmem:s6], [sflag:$0x1], $0x2000, $0x38;
	[tilespmem:$0x2080] =	vst v63  }
0xe: {  	_ =	swait.ge [sflag:s3], $0x2000  }
0xf: {  	s7 =	sadd.s32 $0xFFFFFFFF, s31;
	[sflag:s3] =	ssyncset.done $0x0  }
.LBB2_1:
0x10: {  	p0 =	sne.s32 s7, $0x1;
	s7 =	sadd.s32 $0xFFFFFFFF, s7;
	[sflag:s3] =	ssyncadd.s32 $0xFFFFE000  }
0x11: {  	[tilespmem:s2], [sflag:$0x1] =	stream.linear.gather [hbm4b:s4+s2], $0x40, $0x38;
	[tilespmem:$0x2080] =	vst v63  }
0x12: {  	_ =	swait.ge [sflag:s3], $0x40  }
.Ltmp1:
0x13: {  	[sflag:s3] =	ssyncset.done $0x0;
	(pc) =	sbr.rel @p0 .LBB2_1-.Ltmp1, $4  }
0x14: {  	[sflag:s3] =	ssyncadd.s32 $0xFFFFFFC0  }
0x15: {  	[hbm4b:s5+s2] =	stream.linear.scatter [tilespmem:s6], [sflag:$0x1], $0x2000, $0x38;
	[tilespmem:$0x2080] =	vst v63  }
0x16: {  	_ =	swait.ge [sflag:s3], $0x2000  }
0x17: {  	[sflag:s3] =	ssyncset.done $0x0  }
.LBB2_2:
0x18: {  	[sflag:s3] =	ssyncadd.s32 $0xFFFFE000  }
0x19: {  	_ =	sfence.sel $0x180000  }
0x1a: {  	[bflag:$0x0] =	sbarrier.arrive $0xFFFF  }
0x1b: {  	p0 =	sne.s32 s0, $0x0;
	_ =	strace $0x9000004D  }
0x1c: {  	s0 =	sadd.s32 @!p0 $0x100000, s1;
	[bflag:$0x2] =	sbarrier.arrive $0xFFFF  }
0x1d: {  	[sflag:s0] =	ssyncadd.tile.s32 @!p0 $0x1;
	_ =	shalt  }
.Lfunc_end2:
_tile_overlayer_lowered:
.L_overlay_start_2:
0x1e: {  	(tag) =	ssettag $0x2  }
0x1f: {  	s0 =	rddreg [dreg:$0x0];
	s2 =	stileid.u32  }
0x20: {  	s1 =	rddreg [dreg:$0x1];
	p0 =	sne.s32 s2, $0x0  }
0x21: {  	s3 =	rddreg [dreg:$0x2];
	[bflag:$0x3] =	sbarrier.arrive $0xFFFF;
	s2 =	simm.s32 @!p0 $0x1C01  }
0x22: {  	[timem:s3], [sflag:s2] =	dma.local @!p0 [hbm:s0], s1  }
0x23: {  	s0 =	simm.s32 @!p0 $0x1  }
0x24: {  	_ =	swait.ge @!p0 [sflag:s0], s1  }
0x25: {  	s1 =	ssub.s32 @!p0 $0x0, s1;
	[sflag:s0] =	ssyncset.done @!p0 $0x0  }
0x26: {  	[sflag:s0] =	ssyncadd.s32 @!p0 s1  }
0x27: {  	[bflag:$0x3] =	sbarrier.arrive $0xFFFF  }
0x28: {  	_ =	shalt  }

// kernel: kernel.29.cloned.1.call-start
scs
__scs_entry_jumppad:
0x0: {  	(pc) =	sbr.rel $0x88, $3  }
0x1: {  	(tag) =	ssettag $0x0;
	lr =	simm.s32 $0x1  }
0x2: {  	[smem:$0x3F9F] =	sst lr;
	_ =	strace $0xD0000000  }
0x3: {  	_ = 	snop  }
0x4: {  	_ = 	snop  }
0x5: {  	_ = 	snop  }
0x6: {  	_ = 	snop  }
0x7: {  	_ = 	snop  }
__scs_overlays_trampoline_lowered:
0x8: {  	[smem:$0x3FAE] =	sst s0  }
0x9: {  	[smem:$0x3FAF] =	sst s1  }
0xa: {  	[smem:$0x3FB0] =	sst s2  }
0xb: {  	[smem:$0x3FB1] =	sst s3  }
0xc: {  	[smem:$0x3FB2] =	sst s4  }
0xd: {  	[smem:$0x3FB3] =	sst s5  }
0xe: {  	[smem:$0x3FB4] =	sst s6  }
0xf: {  	[smem:$0x3FB5] =	sst s7  }
0x10: {  	[smem:$0x3FB6] =	sst s8  }
0x11: {  	[smem:$0x3FB7] =	sst s9;
	s0 =	simm.s32 @!p0 $0x0  }
0x12: {  	s1 =	sld [smem:$0x3F9D];
	s0 =	simm.s32 @p0 $0x1  }
0x13: {  	[smem:$0x3FB8] =	sst s0;
	s0 =	simm.s32 @!p1 $0x0  }
0x14: {  	s2 =	sld [smem:$0x3F9C];
	s0 =	simm.s32 @p1 $0x1  }
0x15: {  	[smem:$0x3FB9] =	sst s0;
	s0 =	simm.s32 @!p2 $0x0  }
0x16: {  	s3 =	sld [smem:$0x3FDB];
	s0 =	simm.s32 @p2 $0x1  }
0x17: {  	s4 =	simm.s32 $0x1BF5;
	[smem:$0x3FBB] =	sst s0  }
0x18: {  	s0 =	sld [smem:$0x3F9E];
	_ =	swait.ge [sflag:s4], $0x0  }
0x19: {  	s7 =	sld [smem:$0x3F9F]  }
0x1a: {  	s8 =	sadd.s32 $0xFFFFE003, lr  }
0x1b: {  	s9 =	sadd.s32 $0xFFFFFEF7, lr;
	s5 =	simm.s32 $0xFFFFFFFF;
	p2 =	slt.u32 s8, $0xFFFFF086  }
0x1c: {  	p1 =	slt.u32 s9, $0xF7A;
	s5 =	simm.s32 @!p2 $0x0  }
0x1d: {  	s5 =	simm.s32 @p1 $0x1;
	p0 =	seq.s32 s7, s2  }
0x1e: {  	s7 =	smul.u32 @!p0 $0xF7A, s2;
	p2 =	seq.s32 @!p0 s5, $0x0  }
0x1f: {  	s9 =	smul.u32 $0xF7A, s1;
	s8 =	simm.s32 @!p0 $0x1BF5;
	p2 =	por !p2, p0  }
0x20: {  	[sflag:s8] =	ssyncset.s32 @!p0 $0xFFFFF086;
	s6 =	sadd.s32 @!p0 s3, s7;
	s7 =	simm.s32 @!p0 $0x108  }
0x21: {  	s3 =	sadd.s32 s3, s9;
	s6 =	sadd.s32 @!p0 $0x88, s6;
	s7 =	simm.s32 @p2 $0x1082  }
0x22: {  	[simem:s7], [sflag:s8] =	dma.local @!p0 [hbm:s6], $0xF7A  }
0x23: {  	s9 =	sor.u32 $0xD0000000, s2;
	s6 =	simm.s32 $0x108;
	_ =	swait.ge @!p0 [sflag:s8], $0x0  }
0x24: {  	s3 =	sadd.s32 $0x88, s3;
	s6 =	simm.s32 @!p1 $0x1082;
	[sflag:s4] =	ssyncset.s32 $0xFFFFF086  }
0x25: {  	[simem:s6], [sflag:s4] =	dma.local [hbm:s3], $0xF7A  }
0x26: {  	[smem:$0x3F9F] =	sst s1;
	(tag) =	ssettag s2;
	_ =	strace s9  }
0x27: {  	s1 =	sld [smem:$0x3FAF]  }
0x28: {  	s2 =	sld [smem:$0x3FB0]  }
0x29: {  	s4 =	sld [smem:$0x3FB2]  }
0x2a: {  	p0 =	seq.s32 s5, $0x0;
	s5 =	sld [smem:$0x3FB3]  }
0x2b: {  	s6 =	sld [smem:$0x3FB4]  }
0x2c: {  	s7 =	sld [smem:$0x3FB5]  }
0x2d: {  	s3 =	simm.s32 $0x108;
	s8 =	sld [smem:$0x3FB6]  }
0x2e: {  	s3 =	simm.s32 @!p0 $0x1082;
	s9 =	sld [smem:$0x3FB7]  }
0x2f: {  	lr =	sadd.s32 s0, s3;
	s0 =	sld [smem:$0x3FAE]  }
0x30: {  	s3 =	sld [smem:$0x3FB1]  }
0x31: {  	[smem:$0x3FBA] =	sst s10  }
0x32: {  	s10 =	sld [smem:$0x3FB8];
	_ =	sdelay $0x3  }
0x33: {  	p0 =	seq.s32 s10, $0x1;
	s10 =	sld [smem:$0x3FBA];
	_ =	sdelay $0x3  }
0x34: {  	[smem:$0x3FBA] =	sst s10  }
0x35: {  	s10 =	sld [smem:$0x3FB9];
	_ =	sdelay $0x3  }
0x36: {  	p1 =	seq.s32 s10, $0x1;
	s10 =	sld [smem:$0x3FBA];
	_ =	sdelay $0x3  }
0x37: {  	[smem:$0x3FBA] =	sst s10  }
0x38: {  	s10 =	sld [smem:$0x3FBB]  }
0x39: {  	_ = 	snop;
	(pc) =	sbr.ind lr, $3  }
0x3a: {  	_ = 	snop  }
0x3b: {  	_ = 	snop  }
0x3c: {  	p2 =	seq.s32 s10, $0x1;
	s10 =	sld [smem:$0x3FBA]  }
0x3d: {  	_ =	shalt  }
0x3e: {  	_ =	shalt  }
0x3f: {  	_ =	shalt  }
0x40: {  	_ =	shalt  }
0x41: {  	_ =	shalt  }
0x42: {  	_ =	shalt  }
0x43: {  	_ =	shalt  }
0x44: {  	_ =	shalt  }
0x45: {  	_ =	shalt  }
0x46: {  	_ =	shalt  }
0x47: {  	_ =	shalt  }
0x48: {  	_ =	shalt  }
0x49: {  	_ =	shalt  }
0x4a: {  	_ =	shalt  }
0x4b: {  	_ =	shalt  }
0x4c: {  	_ =	shalt  }
0x4d: {  	_ =	shalt  }
0x4e: {  	_ =	shalt  }
0x4f: {  	_ =	shalt  }
0x50: {  	_ =	shalt  }
0x51: {  	_ =	shalt  }
0x52: {  	_ =	shalt  }
0x53: {  	_ =	shalt  }
0x54: {  	_ =	shalt  }
0x55: {  	_ =	shalt  }
0x56: {  	_ =	shalt  }
0x57: {  	_ =	shalt  }
0x58: {  	_ =	shalt  }
0x59: {  	_ =	shalt  }
0x5a: {  	_ =	shalt  }
0x5b: {  	_ =	shalt  }
0x5c: {  	_ =	shalt  }
0x5d: {  	_ =	shalt  }
0x5e: {  	_ =	shalt  }
0x5f: {  	_ =	shalt  }
0x60: {  	_ =	shalt  }
0x61: {  	_ =	shalt  }
0x62: {  	_ =	shalt  }
0x63: {  	_ =	shalt  }
0x64: {  	_ =	shalt  }
0x65: {  	_ =	shalt  }
0x66: {  	_ =	shalt  }
0x67: {  	_ =	shalt  }
0x68: {  	_ =	shalt  }
0x69: {  	_ =	shalt  }
0x6a: {  	_ =	shalt  }
0x6b: {  	_ =	shalt  }
0x6c: {  	_ =	shalt  }
0x6d: {  	_ =	shalt  }
0x6e: {  	_ =	shalt  }
0x6f: {  	_ =	shalt  }
0x70: {  	_ =	shalt  }
0x71: {  	_ =	shalt  }
0x72: {  	_ =	shalt  }
0x73: {  	_ =	shalt  }
0x74: {  	_ =	shalt  }
0x75: {  	_ =	shalt  }
0x76: {  	_ =	shalt  }
0x77: {  	_ =	shalt  }
0x78: {  	_ =	shalt  }
0x79: {  	_ =	shalt  }
0x7a: {  	_ =	shalt  }
0x7b: {  	_ =	shalt  }
0x7c: {  	_ =	shalt  }
0x7d: {  	_ =	shalt  }
0x7e: {  	_ =	shalt  }
0x7f: {  	_ =	shalt  }
0x80: {  	_ =	shalt  }
0x81: {  	_ =	shalt  }
0x82: {  	_ =	shalt  }
0x83: {  	_ =	shalt  }
0x84: {  	_ =	shalt  }
0x85: {  	_ =	shalt  }
0x86: {  	_ =	shalt  }
0x87: {  	_ =	shalt  }
.Lfunc_end0:
.L_simem_size_0:
called_computation.3_lowered:
.L_overlay_start_0:
0x88: {  	s2 =	sld [smem:$0x3FD9]  }
0x89: {  	s3 =	sld [smem:$0x3FFE];
	_ =	sdelay $0x1  }
0x8a: {  	s1 =	srdreg.scid  }
0x8b: {  	s0 =	sand.u32 $0x1, s1  }
0x8c: {  	s17 =	sshll.u32 s0, $0xA;
	s2 =	sadd.s32 s3, s2  }
0x8d: {  	s2 =	sadd.s32 s2, s17  }
0x8e: {  	[smem:$0x3FC6] =	sst s2  }
0x8f: {  	_ = 	snop  }
0x90: {  	(tm) =	ssettm $0x1  }
0x91: {  	s18 =	sld [smem:$0x3FFB];
	_ =	sdelay $0x3  }
0x92: {  	_ =	strace s18  }
0x93: {  	s2 =	sld [smem:$0x3FFC];
	_ =	sdelay $0x3  }
0x94: {  	_ =	strace s2  }
0x95: {  	s2 =	sld [smem:$0x3FFD];
	_ =	sdelay $0x3  }
0x96: {  	_ =	strace s2  }
0x97: {  	_ =	strace $0x8FFFFFFF  }
0x98: {  	s19 =	sld [smem:$0x3FDB];
	_ =	sdelay $0x1  }
0x99: {  	s20 =	simm.s32 $_scs_section_size  }
0x9a: {  	s4 =	simm.s32 $_size__tile_overlayer_lowered;
	s5 =	simm.s32 $_tile_overlayer_lowered  }
0x9b: {  	s6 =	simm.s32 $0x1BFF;
	s21 =	sshll.u32 s5, $0x1;
	s3 =	sadd.s32 s20, s19  }
0x9c: {  	s22 =	simm.s32 $0x0;
	s4 =	sshll.u32 s4, $0x1;
	s5 =	sadd.s32 s21, s3  }
0x9d: {  	[timem:s22], [sflag:s6] =	dma.local [hbm:s5], s4  }
0x9e: {  	_ =	swait.ge [sflag:s6], s4  }
0x9f: {  	s4 =	ssub.s32 $0x0, s4;
	[sflag:s6] =	ssyncset.done $0x0  }
0xa0: {  	[sflag:s6] =	ssyncadd.s32 s4;
	_ =	sdelay $0x1  }
0xa1: {  	s23 =	simm.s32 $0x1B8B  }
0xa2: {  	_ =	swait.ge [sflag:s23], $0x1  }
0xa3: {  	[sflag:s23] =	ssyncset.done $0x0  }
0xa4: {  	[sflag:s23] =	ssyncadd.s32 $0xFFFFFFFF  }
0xa5: {  	s4 =	sld [smem:$0x0]  }
0xa6: {  	s5 =	sand.u32 $0xFFFFFFFE, s1  }
0xa7: {  	p0 =	sne.s32 s1, s5  }
0xa8: {  	s5 =	sshll.u32 @p0 s5, $0xE  }
0xa9: {  	s5 =	sadd.s32 @p0 $0x11B8D, s5;
	s6 =	sshll.u32 @p0 s4, $0x11  }
0xaa: {  	s5 =	sor.u32 @p0 s6, s5  }
0xab: {  	[sflag:s5] =	ssyncadd.remote.s32 @p0 $0x1;
	_ =	sdelay $0x1  }
0xac: {  	s5 =	simm.s32 @p0 $0x1B8D  }
0xad: {  	_ =	swait.eq @p0 [sflag:s5], $0x1  }
0xae: {  	[sflag:s5] =	ssyncadd.s32 @p0 $0xFFFFFFFF  }
0xaf: {  	s6 =	sshll.u32 @!p0 s1, $0xE  }
0xb0: {  	s6 =	sor.u32 @!p0 $0x4000, s6;
	s5 =	simm.s32 @!p0 $0x1B8D  }
0xb1: {  	s4 =	sshll.u32 @!p0 s4, $0x11;
	s6 =	sadd.s32 @!p0 $0x11B8D, s6;
	_ =	swait.eq @!p0 [sflag:s5], $0x1  }
0xb2: {  	s4 =	sor.u32 @!p0 s4, s6;
	[sflag:s5] =	ssyncadd.s32 @!p0 $0xFFFFFFFF  }
0xb3: {  	s25 =	simm.s32 $0x1B8E;
	s24 =	sld [smem:$0x3FFE];
	[sflag:s4] =	ssyncadd.remote.s32 @!p0 $0x1  }
0xb4: {  	s26 =	simm.s32 $execute0_lowered;
	[smem:$0x3FD2] =	sst s25  }
0xb5: {  	s5 =	sshll.u32 s26, $0x1;
	_ =	strace $0x8000004F;
	[dreg:$0x1] =	wrdreg $0xFFFFFFFF  }
0xb6: {  	s28 =	simm.s32 $_size_execute0_lowered;
	s3 =	sadd.s32 s3, s5;
	[dreg:$0x0] =	wrdreg $0x0  }
0xb7: {  	s5 =	sshll.u32 s28, $0x1;
	[dreg:$0x2] =	wrdreg s3  }
0xb8: {  	[dreg:$0x3] =	wrdreg s5  }
0xb9: {  	[dreg:$0x4] =	wrdreg $0xC0  }
0xba: {  	_ =	task [dreg:s22], $0x5FFFF  }
0xbb: {  	[dreg:$0x1] =	wrdreg $0xFFFFFFFF  }
0xbc: {  	[dreg:$0x0] =	wrdreg $0x60  }
0xbd: {  	[dreg:$0x2] =	wrdreg s24  }
0xbe: {  	[dreg:$0x3] =	wrdreg $0xC  }
0xbf: {  	_ =	task.clear_ibuf [dreg:s22], $0x4FFFF;
	_ =	strace $0x9000004F  }
0xc0: {  	s29 =	simm.s32 $0xC;
	_ =	strace $0x80000051  }
0xc1: {  	_ =	swait.ge [sflag:s29], $0x1  }
0xc2: {  	[sflag:s29] =	ssyncadd.s32 $0xFFFFFFFF  }
0xc3: {  	_ =	strace $0x90000051  }
0xc4: {  	_ =	sfence  }
0xc5: {  	s30 =	sld [smem:$0x0];
	_ =	sdelay $0x2  }
0xc6: {  	s31 =	sshll.u32 s1, $0xD;
	s1 =	sshrl.u32 s1, $0x2  }
0xc7: {  	s4 =	sand.u32 $0x4000, s31;
	s1 =	sadd.s32 s1, s30  }
0xc8: {  	s0 =	sor.u32 s4, s0;
	s1 =	sshll.u32 s1, $0x11  }
0xc9: {  	s0 =	sor.u32 s1, s0  }
0xca: {  	s0 =	sadd.s32 $0x8F2B, s0  }
0xcb: {  	[sflag:s0] =	ssyncadd.remote.s32 $0x1  }
0xcc: {  	_ =	sfence.sel $0xFFFF  }
0xcd: {  	[dreg:$0x0] =	wrdreg $0xFFFFFFFF;
	(pc) =	sbr.abs _section_cstart, $3  }
0xce: {  	[dreg:$0x1] =	wrdreg $0xFFFFFFFF  }
0xcf: {  	_ =	task.clear_ibuf [dreg:s22], $0x2FFFF;
	_ =	strace $0x9FFFFFFF  }
0xd0: {  	(tm) =	ssettm $0x7FFFFFFF  }
0xd1: {  	_ =	shalt  }
tec
execute0_lowered:
.L_overlay_start_1:
0x0: {  	(tag) =	ssettag $0x1  }
0x1: {  	s1 =	srdreg.scid  }
0x2: {  	s0 =	stileid.u32;
	s3 =	sand.u32 $0x1, s1  }
0x3: {  	s5 =	rddreg [dreg:$0x0];
	s4 =	sshll.u32 s0, $0x7;
	s6 =	sshll.u32 s3, $0x6  }
0x4: {  	s2 =	simm.s32 $0x0;
	s1 =	rddreg [dreg:$0x1];
	s4 =	sor.u32 s6, s4  }
0x5: {  	[smem:$0x7FF] =	sst s2;
	s8 =	ssub.s32 $0x2, s3;
	s6 =	sshrl.u32 s4, $0x3  }
0x6: {  	_ =	strace $0x80000050;
	s30 =	sshrl.u32 s8, $0x1;
	s6 =	sadd.s32 s6, s5  }
0x7: {  	s7 =	sshll.u32 s4, $0x4;
	s4 =	sadd.s32 $0x1BC00, s6;
	s6 =	ssub.s32 s8, s30  }
0x8: {  	[tilespmem:s2], [sflag:$0x1] =	stream.linear.gather [hbm4b:s4+s2], $0x40, $0x38;
	[tilespmem:$0x2080] =	vst v63  }
0x9: {  	s3 =	simm.s32 $0x1;
	s31 =	smax.u32 s6, $0x1  }
0xa: {  	_ =	swait.ge [sflag:s3], $0x40;
	p0 =	sne.s32 s31, $0x1  }
.Ltmp0:
0xb: {  	s5 =	sadd.s32 s7, s5;
	[sflag:s3] =	ssyncset.done $0x0;
	(pc) =	sbr.rel @!p0 .LBB2_2-.Ltmp0, $4  }
0xc: {  	s5 =	sadd.s32 $0x1BE00, s5;
	s6 =	simm.s32 $0x80;
	[sflag:s3] =	ssyncadd.s32 $0xFFFFFFC0  }
0xd: {  	[hbm4b:s5+s2] =	stream.linear.scatter [tilespmem:s6], [sflag:$0x1], $0x2000, $0x38;
	[tilespmem:$0x2080] =	vst v63  }
0xe: {  	_ =	swait.ge [sflag:s3], $0x2000  }
0xf: {  	s7 =	sadd.s32 $0xFFFFFFFF, s31;
	[sflag:s3] =	ssyncset.done $0x0  }
.LBB2_1:
0x10: {  	p0 =	sne.s32 s7, $0x1;
	s7 =	sadd.s32 $0xFFFFFFFF, s7;
	[sflag:s3] =	ssyncadd.s32 $0xFFFFE000  }
0x11: {  	[tilespmem:s2], [sflag:$0x1] =	stream.linear.gather [hbm4b:s4+s2], $0x40, $0x38;
	[tilespmem:$0x2080] =	vst v63  }
0x12: {  	_ =	swait.ge [sflag:s3], $0x40  }
.Ltmp1:
0x13: {  	[sflag:s3] =	ssyncset.done $0x0;
	(pc) =	sbr.rel @p0 .LBB2_1-.Ltmp1, $4  }
0x14: {  	[sflag:s3] =	ssyncadd.s32 $0xFFFFFFC0  }
0x15: {  	[hbm4b:s5+s2] =	stream.linear.scatter [tilespmem:s6], [sflag:$0x1], $0x2000, $0x38;
	[tilespmem:$0x2080] =	vst v63  }
0x16: {  	_ =	swait.ge [sflag:s3], $0x2000  }
0x17: {  	[sflag:s3] =	ssyncset.done $0x0  }
.LBB2_2:
0x18: {  	[sflag:s3] =	ssyncadd.s32 $0xFFFFE000  }
0x19: {  	_ =	sfence.sel $0x180000  }
0x1a: {  	[bflag:$0x0] =	sbarrier.arrive $0xFFFF  }
0x1b: {  	p0 =	sne.s32 s0, $0x0;
	_ =	strace $0x90000050  }
0x1c: {  	s0 =	sadd.s32 @!p0 $0x100000, s1;
	[bflag:$0x2] =	sbarrier.arrive $0xFFFF  }
0x1d: {  	[sflag:s0] =	ssyncadd.tile.s32 @!p0 $0x1;
	_ =	shalt  }
.Lfunc_end2:
_tile_overlayer_lowered:
.L_overlay_start_2:
0x1e: {  	(tag) =	ssettag $0x2  }
0x1f: {  	s0 =	rddreg [dreg:$0x0];
	s2 =	stileid.u32  }
0x20: {  	s1 =	rddreg [dreg:$0x1];
	p0 =	sne.s32 s2, $0x0  }
0x21: {  	s3 =	rddreg [dreg:$0x2];
	[bflag:$0x3] =	sbarrier.arrive $0xFFFF;
	s2 =	simm.s32 @!p0 $0x1C01  }
0x22: {  	[timem:s3], [sflag:s2] =	dma.local @!p0 [hbm:s0], s1  }
0x23: {  	s0 =	simm.s32 @!p0 $0x1  }
0x24: {  	_ =	swait.ge @!p0 [sflag:s0], s1  }
0x25: {  	s1 =	ssub.s32 @!p0 $0x0, s1;
	[sflag:s0] =	ssyncset.done @!p0 $0x0  }
0x26: {  	[sflag:s0] =	ssyncadd.s32 @!p0 s1  }
0x27: {  	[bflag:$0x3] =	sbarrier.arrive $0xFFFF  }
0x28: {  	_ =	shalt  }

// kernel: kernel.32.cloned.1.call-start
scs
__scs_entry_jumppad:
0x0: {  	(pc) =	sbr.rel $0x88, $3  }
0x1: {  	(tag) =	ssettag $0x0;
	lr =	simm.s32 $0x1  }
0x2: {  	[smem:$0x3F9F] =	sst lr;
	_ =	strace $0xD0000000  }
0x3: {  	_ = 	snop  }
0x4: {  	_ = 	snop  }
0x5: {  	_ = 	snop  }
0x6: {  	_ = 	snop  }
0x7: {  	_ = 	snop  }
__scs_overlays_trampoline_lowered:
0x8: {  	[smem:$0x3FAE] =	sst s0  }
0x9: {  	[smem:$0x3FAF] =	sst s1  }
0xa: {  	[smem:$0x3FB0] =	sst s2  }
0xb: {  	[smem:$0x3FB1] =	sst s3  }
0xc: {  	[smem:$0x3FB2] =	sst s4  }
0xd: {  	[smem:$0x3FB3] =	sst s5  }
0xe: {  	[smem:$0x3FB4] =	sst s6  }
0xf: {  	[smem:$0x3FB5] =	sst s7  }
0x10: {  	[smem:$0x3FB6] =	sst s8  }
0x11: {  	[smem:$0x3FB7] =	sst s9;
	s0 =	simm.s32 @!p0 $0x0  }
0x12: {  	s1 =	sld [smem:$0x3F9D];
	s0 =	simm.s32 @p0 $0x1  }
0x13: {  	[smem:$0x3FB8] =	sst s0;
	s0 =	simm.s32 @!p1 $0x0  }
0x14: {  	s2 =	sld [smem:$0x3F9C];
	s0 =	simm.s32 @p1 $0x1  }
0x15: {  	[smem:$0x3FB9] =	sst s0;
	s0 =	simm.s32 @!p2 $0x0  }
0x16: {  	s3 =	sld [smem:$0x3FDB];
	s0 =	simm.s32 @p2 $0x1  }
0x17: {  	s4 =	simm.s32 $0x1BF5;
	[smem:$0x3FBB] =	sst s0  }
0x18: {  	s0 =	sld [smem:$0x3F9E];
	_ =	swait.ge [sflag:s4], $0x0  }
0x19: {  	s7 =	sld [smem:$0x3F9F]  }
0x1a: {  	s8 =	sadd.s32 $0xFFFFE003, lr  }
0x1b: {  	s9 =	sadd.s32 $0xFFFFFEF7, lr;
	s5 =	simm.s32 $0xFFFFFFFF;
	p2 =	slt.u32 s8, $0xFFFFF086  }
0x1c: {  	p1 =	slt.u32 s9, $0xF7A;
	s5 =	simm.s32 @!p2 $0x0  }
0x1d: {  	s5 =	simm.s32 @p1 $0x1;
	p0 =	seq.s32 s7, s2  }
0x1e: {  	s7 =	smul.u32 @!p0 $0xF7A, s2;
	p2 =	seq.s32 @!p0 s5, $0x0  }
0x1f: {  	s9 =	smul.u32 $0xF7A, s1;
	s8 =	simm.s32 @!p0 $0x1BF5;
	p2 =	por !p2, p0  }
0x20: {  	[sflag:s8] =	ssyncset.s32 @!p0 $0xFFFFF086;
	s6 =	sadd.s32 @!p0 s3, s7;
	s7 =	simm.s32 @!p0 $0x108  }
0x21: {  	s3 =	sadd.s32 s3, s9;
	s6 =	sadd.s32 @!p0 $0x88, s6;
	s7 =	simm.s32 @p2 $0x1082  }
0x22: {  	[simem:s7], [sflag:s8] =	dma.local @!p0 [hbm:s6], $0xF7A  }
0x23: {  	s9 =	sor.u32 $0xD0000000, s2;
	s6 =	simm.s32 $0x108;
	_ =	swait.ge @!p0 [sflag:s8], $0x0  }
0x24: {  	s3 =	sadd.s32 $0x88, s3;
	s6 =	simm.s32 @!p1 $0x1082;
	[sflag:s4] =	ssyncset.s32 $0xFFFFF086  }
0x25: {  	[simem:s6], [sflag:s4] =	dma.local [hbm:s3], $0xF7A  }
0x26: {  	[smem:$0x3F9F] =	sst s1;
	(tag) =	ssettag s2;
	_ =	strace s9  }
0x27: {  	s1 =	sld [smem:$0x3FAF]  }
0x28: {  	s2 =	sld [smem:$0x3FB0]  }
0x29: {  	s4 =	sld [smem:$0x3FB2]  }
0x2a: {  	p0 =	seq.s32 s5, $0x0;
	s5 =	sld [smem:$0x3FB3]  }
0x2b: {  	s6 =	sld [smem:$0x3FB4]  }
0x2c: {  	s7 =	sld [smem:$0x3FB5]  }
0x2d: {  	s3 =	simm.s32 $0x108;
	s8 =	sld [smem:$0x3FB6]  }
0x2e: {  	s3 =	simm.s32 @!p0 $0x1082;
	s9 =	sld [smem:$0x3FB7]  }
0x2f: {  	lr =	sadd.s32 s0, s3;
	s0 =	sld [smem:$0x3FAE]  }
0x30: {  	s3 =	sld [smem:$0x3FB1]  }
0x31: {  	[smem:$0x3FBA] =	sst s10  }
0x32: {  	s10 =	sld [smem:$0x3FB8];
	_ =	sdelay $0x3  }
0x33: {  	p0 =	seq.s32 s10, $0x1;
	s10 =	sld [smem:$0x3FBA];
	_ =	sdelay $0x3  }
0x34: {  	[smem:$0x3FBA] =	sst s10  }
0x35: {  	s10 =	sld [smem:$0x3FB9];
	_ =	sdelay $0x3  }
0x36: {  	p1 =	seq.s32 s10, $0x1;
	s10 =	sld [smem:$0x3FBA];
	_ =	sdelay $0x3  }
0x37: {  	[smem:$0x3FBA] =	sst s10  }
0x38: {  	s10 =	sld [smem:$0x3FBB]  }
0x39: {  	_ = 	snop;
	(pc) =	sbr.ind lr, $3  }
0x3a: {  	_ = 	snop  }
0x3b: {  	_ = 	snop  }
0x3c: {  	p2 =	seq.s32 s10, $0x1;
	s10 =	sld [smem:$0x3FBA]  }
0x3d: {  	_ =	shalt  }
0x3e: {  	_ =	shalt  }
0x3f: {  	_ =	shalt  }
0x40: {  	_ =	shalt  }
0x41: {  	_ =	shalt  }
0x42: {  	_ =	shalt  }
0x43: {  	_ =	shalt  }
0x44: {  	_ =	shalt  }
0x45: {  	_ =	shalt  }
0x46: {  	_ =	shalt  }
0x47: {  	_ =	shalt  }
0x48: {  	_ =	shalt  }
0x49: {  	_ =	shalt  }
0x4a: {  	_ =	shalt  }
0x4b: {  	_ =	shalt  }
0x4c: {  	_ =	shalt  }
0x4d: {  	_ =	shalt  }
0x4e: {  	_ =	shalt  }
0x4f: {  	_ =	shalt  }
0x50: {  	_ =	shalt  }
0x51: {  	_ =	shalt  }
0x52: {  	_ =	shalt  }
0x53: {  	_ =	shalt  }
0x54: {  	_ =	shalt  }
0x55: {  	_ =	shalt  }
0x56: {  	_ =	shalt  }
0x57: {  	_ =	shalt  }
0x58: {  	_ =	shalt  }
0x59: {  	_ =	shalt  }
0x5a: {  	_ =	shalt  }
0x5b: {  	_ =	shalt  }
0x5c: {  	_ =	shalt  }
0x5d: {  	_ =	shalt  }
0x5e: {  	_ =	shalt  }
0x5f: {  	_ =	shalt  }
0x60: {  	_ =	shalt  }
0x61: {  	_ =	shalt  }
0x62: {  	_ =	shalt  }
0x63: {  	_ =	shalt  }
0x64: {  	_ =	shalt  }
0x65: {  	_ =	shalt  }
0x66: {  	_ =	shalt  }
0x67: {  	_ =	shalt  }
0x68: {  	_ =	shalt  }
0x69: {  	_ =	shalt  }
0x6a: {  	_ =	shalt  }
0x6b: {  	_ =	shalt  }
0x6c: {  	_ =	shalt  }
0x6d: {  	_ =	shalt  }
0x6e: {  	_ =	shalt  }
0x6f: {  	_ =	shalt  }
0x70: {  	_ =	shalt  }
0x71: {  	_ =	shalt  }
0x72: {  	_ =	shalt  }
0x73: {  	_ =	shalt  }
0x74: {  	_ =	shalt  }
0x75: {  	_ =	shalt  }
0x76: {  	_ =	shalt  }
0x77: {  	_ =	shalt  }
0x78: {  	_ =	shalt  }
0x79: {  	_ =	shalt  }
0x7a: {  	_ =	shalt  }
0x7b: {  	_ =	shalt  }
0x7c: {  	_ =	shalt  }
0x7d: {  	_ =	shalt  }
0x7e: {  	_ =	shalt  }
0x7f: {  	_ =	shalt  }
0x80: {  	_ =	shalt  }
0x81: {  	_ =	shalt  }
0x82: {  	_ =	shalt  }
0x83: {  	_ =	shalt  }
0x84: {  	_ =	shalt  }
0x85: {  	_ =	shalt  }
0x86: {  	_ =	shalt  }
0x87: {  	_ =	shalt  }
.Lfunc_end0:
.L_simem_size_0:
called_computation.4_lowered:
.L_overlay_start_0:
0x88: {  	s2 =	sld [smem:$0x3FD9]  }
0x89: {  	s3 =	sld [smem:$0x3FFE];
	_ =	sdelay $0x1  }
0x8a: {  	s1 =	srdreg.scid  }
0x8b: {  	s0 =	sand.u32 $0x1, s1  }
0x8c: {  	s17 =	sshll.u32 s0, $0xA;
	s2 =	sadd.s32 s3, s2  }
0x8d: {  	s2 =	sadd.s32 s2, s17  }
0x8e: {  	[smem:$0x3FC6] =	sst s2  }
0x8f: {  	_ = 	snop  }
0x90: {  	(tm) =	ssettm $0x1  }
0x91: {  	s18 =	sld [smem:$0x3FFB];
	_ =	sdelay $0x3  }
0x92: {  	_ =	strace s18  }
0x93: {  	s2 =	sld [smem:$0x3FFC];
	_ =	sdelay $0x3  }
0x94: {  	_ =	strace s2  }
0x95: {  	s2 =	sld [smem:$0x3FFD];
	_ =	sdelay $0x3  }
0x96: {  	_ =	strace s2  }
0x97: {  	_ =	strace $0x8FFFFFFF  }
0x98: {  	s19 =	sld [smem:$0x3FDB];
	_ =	sdelay $0x1  }
0x99: {  	s20 =	simm.s32 $_scs_section_size  }
0x9a: {  	s4 =	simm.s32 $_size__tile_overlayer_lowered;
	s5 =	simm.s32 $_tile_overlayer_lowered  }
0x9b: {  	s6 =	simm.s32 $0x1BFF;
	s21 =	sshll.u32 s5, $0x1;
	s3 =	sadd.s32 s20, s19  }
0x9c: {  	s22 =	simm.s32 $0x0;
	s4 =	sshll.u32 s4, $0x1;
	s5 =	sadd.s32 s21, s3  }
0x9d: {  	[timem:s22], [sflag:s6] =	dma.local [hbm:s5], s4  }
0x9e: {  	_ =	swait.ge [sflag:s6], s4  }
0x9f: {  	s4 =	ssub.s32 $0x0, s4;
	[sflag:s6] =	ssyncset.done $0x0  }
0xa0: {  	[sflag:s6] =	ssyncadd.s32 s4;
	_ =	sdelay $0x1  }
0xa1: {  	s23 =	simm.s32 $0x1B8B  }
0xa2: {  	_ =	swait.ge [sflag:s23], $0x1  }
0xa3: {  	[sflag:s23] =	ssyncset.done $0x0  }
0xa4: {  	[sflag:s23] =	ssyncadd.s32 $0xFFFFFFFF  }
0xa5: {  	s4 =	sld [smem:$0x0]  }
0xa6: {  	s5 =	sand.u32 $0xFFFFFFFE, s1  }
0xa7: {  	p0 =	sne.s32 s1, s5  }
0xa8: {  	s5 =	sshll.u32 @p0 s5, $0xE  }
0xa9: {  	s5 =	sadd.s32 @p0 $0x11B8D, s5;
	s6 =	sshll.u32 @p0 s4, $0x11  }
0xaa: {  	s5 =	sor.u32 @p0 s6, s5  }
0xab: {  	[sflag:s5] =	ssyncadd.remote.s32 @p0 $0x1;
	_ =	sdelay $0x1  }
0xac: {  	s5 =	simm.s32 @p0 $0x1B8D  }
0xad: {  	_ =	swait.eq @p0 [sflag:s5], $0x1  }
0xae: {  	[sflag:s5] =	ssyncadd.s32 @p0 $0xFFFFFFFF  }
0xaf: {  	s6 =	sshll.u32 @!p0 s1, $0xE  }
0xb0: {  	s6 =	sor.u32 @!p0 $0x4000, s6;
	s5 =	simm.s32 @!p0 $0x1B8D  }
0xb1: {  	s4 =	sshll.u32 @!p0 s4, $0x11;
	s6 =	sadd.s32 @!p0 $0x11B8D, s6;
	_ =	swait.eq @!p0 [sflag:s5], $0x1  }
0xb2: {  	s4 =	sor.u32 @!p0 s4, s6;
	[sflag:s5] =	ssyncadd.s32 @!p0 $0xFFFFFFFF  }
0xb3: {  	s25 =	simm.s32 $0x1B8E;
	s24 =	sld [smem:$0x3FFE];
	[sflag:s4] =	ssyncadd.remote.s32 @!p0 $0x1  }
0xb4: {  	s26 =	simm.s32 $execute0_lowered;
	[smem:$0x3FD2] =	sst s25  }
0xb5: {  	s5 =	sshll.u32 s26, $0x1;
	_ =	strace $0x80000052;
	[dreg:$0x1] =	wrdreg $0xFFFFFFFF  }
0xb6: {  	s28 =	simm.s32 $_size_execute0_lowered;
	s3 =	sadd.s32 s3, s5;
	[dreg:$0x0] =	wrdreg $0x0  }
0xb7: {  	s5 =	sshll.u32 s28, $0x1;
	[dreg:$0x2] =	wrdreg s3  }
0xb8: {  	[dreg:$0x3] =	wrdreg s5  }
0xb9: {  	[dreg:$0x4] =	wrdreg $0xC0  }
0xba: {  	_ =	task [dreg:s22], $0x5FFFF  }
0xbb: {  	[dreg:$0x1] =	wrdreg $0xFFFFFFFF  }
0xbc: {  	[dreg:$0x0] =	wrdreg $0x60  }
0xbd: {  	[dreg:$0x2] =	wrdreg s24  }
0xbe: {  	[dreg:$0x3] =	wrdreg $0xD  }
0xbf: {  	_ =	task.clear_ibuf [dreg:s22], $0x4FFFF;
	_ =	strace $0x90000052  }
0xc0: {  	s29 =	simm.s32 $0xD;
	_ =	strace $0x80000054  }
0xc1: {  	_ =	swait.ge [sflag:s29], $0x1  }
0xc2: {  	[sflag:s29] =	ssyncadd.s32 $0xFFFFFFFF  }
0xc3: {  	_ =	strace $0x90000054  }
0xc4: {  	_ =	sfence  }
0xc5: {  	s30 =	sld [smem:$0x0];
	_ =	sdelay $0x2  }
0xc6: {  	s31 =	sshll.u32 s1, $0xD;
	s1 =	sshrl.u32 s1, $0x2  }
0xc7: {  	s4 =	sand.u32 $0x4000, s31;
	s1 =	sadd.s32 s1, s30  }
0xc8: {  	s0 =	sor.u32 s4, s0;
	s1 =	sshll.u32 s1, $0x11  }
0xc9: {  	s0 =	sor.u32 s1, s0  }
0xca: {  	s0 =	sadd.s32 $0x8F2B, s0  }
0xcb: {  	[sflag:s0] =	ssyncadd.remote.s32 $0x1  }
0xcc: {  	_ =	sfence.sel $0xFFFF  }
0xcd: {  	[dreg:$0x0] =	wrdreg $0xFFFFFFFF;
	(pc) =	sbr.abs _section_cstart, $3  }
0xce: {  	[dreg:$0x1] =	wrdreg $0xFFFFFFFF  }
0xcf: {  	_ =	task.clear_ibuf [dreg:s22], $0x2FFFF;
	_ =	strace $0x9FFFFFFF  }
0xd0: {  	(tm) =	ssettm $0x7FFFFFFF  }
0xd1: {  	_ =	shalt  }
tec
execute0_lowered:
.L_overlay_start_1:
0x0: {  	(tag) =	ssettag $0x1  }
0x1: {  	s1 =	srdreg.scid  }
0x2: {  	s0 =	stileid.u32;
	s3 =	sand.u32 $0x1, s1  }
0x3: {  	s5 =	rddreg [dreg:$0x0];
	s4 =	sshll.u32 s0, $0x7;
	s6 =	sshll.u32 s3, $0x6  }
0x4: {  	s2 =	simm.s32 $0x0;
	s1 =	rddreg [dreg:$0x1];
	s4 =	sor.u32 s6, s4  }
0x5: {  	[smem:$0x7FF] =	sst s2;
	s8 =	ssub.s32 $0x2, s3;
	s6 =	sshrl.u32 s4, $0x3  }
0x6: {  	_ =	strace $0x80000053;
	s30 =	sshrl.u32 s8, $0x1;
	s6 =	sadd.s32 s6, s5  }
0x7: {  	s7 =	sshll.u32 s4, $0x4;
	s4 =	sadd.s32 $0x23E00, s6;
	s6 =	ssub.s32 s8, s30  }
0x8: {  	[tilespmem:s2], [sflag:$0x1] =	stream.linear.gather [hbm4b:s4+s2], $0x40, $0x38;
	[tilespmem:$0x2080] =	vst v63  }
0x9: {  	s3 =	simm.s32 $0x1;
	s31 =	smax.u32 s6, $0x1  }
0xa: {  	_ =	swait.ge [sflag:s3], $0x40;
	p0 =	sne.s32 s31, $0x1  }
.Ltmp0:
0xb: {  	s5 =	sadd.s32 s7, s5;
	[sflag:s3] =	ssyncset.done $0x0;
	(pc) =	sbr.rel @!p0 .LBB2_2-.Ltmp0, $4  }
0xc: {  	s5 =	sadd.s32 $0x24000, s5;
	s6 =	simm.s32 $0x80;
	[sflag:s3] =	ssyncadd.s32 $0xFFFFFFC0  }
0xd: {  	[hbm4b:s5+s2] =	stream.linear.scatter [tilespmem:s6], [sflag:$0x1], $0x2000, $0x38;
	[tilespmem:$0x2080] =	vst v63  }
0xe: {  	_ =	swait.ge [sflag:s3], $0x2000  }
0xf: {  	s7 =	sadd.s32 $0xFFFFFFFF, s31;
	[sflag:s3] =	ssyncset.done $0x0  }
.LBB2_1:
0x10: {  	p0 =	sne.s32 s7, $0x1;
	s7 =	sadd.s32 $0xFFFFFFFF, s7;
	[sflag:s3] =	ssyncadd.s32 $0xFFFFE000  }
0x11: {  	[tilespmem:s2], [sflag:$0x1] =	stream.linear.gather [hbm4b:s4+s2], $0x40, $0x38;
	[tilespmem:$0x2080] =	vst v63  }
0x12: {  	_ =	swait.ge [sflag:s3], $0x40  }
.Ltmp1:
0x13: {  	[sflag:s3] =	ssyncset.done $0x0;
	(pc) =	sbr.rel @p0 .LBB2_1-.Ltmp1, $4  }
0x14: {  	[sflag:s3] =	ssyncadd.s32 $0xFFFFFFC0  }
0x15: {  	[hbm4b:s5+s2] =	stream.linear.scatter [tilespmem:s6], [sflag:$0x1], $0x2000, $0x38;
	[tilespmem:$0x2080] =	vst v63  }
0x16: {  	_ =	swait.ge [sflag:s3], $0x2000  }
0x17: {  	[sflag:s3] =	ssyncset.done $0x0  }
.LBB2_2:
0x18: {  	[sflag:s3] =	ssyncadd.s32 $0xFFFFE000  }
0x19: {  	_ =	sfence.sel $0x180000  }
0x1a: {  	[bflag:$0x0] =	sbarrier.arrive $0xFFFF  }
0x1b: {  	p0 =	sne.s32 s0, $0x0;
	_ =	strace $0x90000053  }
0x1c: {  	s0 =	sadd.s32 @!p0 $0x100000, s1;
	[bflag:$0x2] =	sbarrier.arrive $0xFFFF  }
0x1d: {  	[sflag:s0] =	ssyncadd.tile.s32 @!p0 $0x1;
	_ =	shalt  }
.Lfunc_end2:
_tile_overlayer_lowered:
.L_overlay_start_2:
0x1e: {  	(tag) =	ssettag $0x2  }
0x1f: {  	s0 =	rddreg [dreg:$0x0];
	s2 =	stileid.u32  }
0x20: {  	s1 =	rddreg [dreg:$0x1];
	p0 =	sne.s32 s2, $0x0  }
0x21: {  	s3 =	rddreg [dreg:$0x2];
	[bflag:$0x3] =	sbarrier.arrive $0xFFFF;
	s2 =	simm.s32 @!p0 $0x1C01  }
0x22: {  	[timem:s3], [sflag:s2] =	dma.local @!p0 [hbm:s0], s1  }
0x23: {  	s0 =	simm.s32 @!p0 $0x1  }
0x24: {  	_ =	swait.ge @!p0 [sflag:s0], s1  }
0x25: {  	s1 =	ssub.s32 @!p0 $0x0, s1;
	[sflag:s0] =	ssyncset.done @!p0 $0x0  }
0x26: {  	[sflag:s0] =	ssyncadd.s32 @!p0 s1  }
0x27: {  	[bflag:$0x3] =	sbarrier.arrive $0xFFFF  }
0x28: {  	_ =	shalt  }

// kernel: kernel.35.cloned.1.call-start
scs
__scs_entry_jumppad:
0x0: {  	(pc) =	sbr.rel $0x88, $3  }
0x1: {  	(tag) =	ssettag $0x0;
	lr =	simm.s32 $0x1  }
0x2: {  	[smem:$0x3F9F] =	sst lr;
	_ =	strace $0xD0000000  }
0x3: {  	_ = 	snop  }
0x4: {  	_ = 	snop  }
0x5: {  	_ = 	snop  }
0x6: {  	_ = 	snop  }
0x7: {  	_ = 	snop  }
__scs_overlays_trampoline_lowered:
0x8: {  	[smem:$0x3FAE] =	sst s0  }
0x9: {  	[smem:$0x3FAF] =	sst s1  }
0xa: {  	[smem:$0x3FB0] =	sst s2  }
0xb: {  	[smem:$0x3FB1] =	sst s3  }
0xc: {  	[smem:$0x3FB2] =	sst s4  }
0xd: {  	[smem:$0x3FB3] =	sst s5  }
0xe: {  	[smem:$0x3FB4] =	sst s6  }
0xf: {  	[smem:$0x3FB5] =	sst s7  }
0x10: {  	[smem:$0x3FB6] =	sst s8  }
0x11: {  	[smem:$0x3FB7] =	sst s9;
	s0 =	simm.s32 @!p0 $0x0  }
0x12: {  	s1 =	sld [smem:$0x3F9D];
	s0 =	simm.s32 @p0 $0x1  }
0x13: {  	[smem:$0x3FB8] =	sst s0;
	s0 =	simm.s32 @!p1 $0x0  }
0x14: {  	s2 =	sld [smem:$0x3F9C];
	s0 =	simm.s32 @p1 $0x1  }
0x15: {  	[smem:$0x3FB9] =	sst s0;
	s0 =	simm.s32 @!p2 $0x0  }
0x16: {  	s3 =	sld [smem:$0x3FDB];
	s0 =	simm.s32 @p2 $0x1  }
0x17: {  	s4 =	simm.s32 $0x1BF5;
	[smem:$0x3FBB] =	sst s0  }
0x18: {  	s0 =	sld [smem:$0x3F9E];
	_ =	swait.ge [sflag:s4], $0x0  }
0x19: {  	s7 =	sld [smem:$0x3F9F]  }
0x1a: {  	s8 =	sadd.s32 $0xFFFFE003, lr  }
0x1b: {  	s9 =	sadd.s32 $0xFFFFFEF7, lr;
	s5 =	simm.s32 $0xFFFFFFFF;
	p2 =	slt.u32 s8, $0xFFFFF086  }
0x1c: {  	p1 =	slt.u32 s9, $0xF7A;
	s5 =	simm.s32 @!p2 $0x0  }
0x1d: {  	s5 =	simm.s32 @p1 $0x1;
	p0 =	seq.s32 s7, s2  }
0x1e: {  	s7 =	smul.u32 @!p0 $0xF7A, s2;
	p2 =	seq.s32 @!p0 s5, $0x0  }
0x1f: {  	s9 =	smul.u32 $0xF7A, s1;
	s8 =	simm.s32 @!p0 $0x1BF5;
	p2 =	por !p2, p0  }
0x20: {  	[sflag:s8] =	ssyncset.s32 @!p0 $0xFFFFF086;
	s6 =	sadd.s32 @!p0 s3, s7;
	s7 =	simm.s32 @!p0 $0x108  }
0x21: {  	s3 =	sadd.s32 s3, s9;
	s6 =	sadd.s32 @!p0 $0x88, s6;
	s7 =	simm.s32 @p2 $0x1082  }
0x22: {  	[simem:s7], [sflag:s8] =	dma.local @!p0 [hbm:s6], $0xF7A  }
0x23: {  	s9 =	sor.u32 $0xD0000000, s2;
	s6 =	simm.s32 $0x108;
	_ =	swait.ge @!p0 [sflag:s8], $0x0  }
0x24: {  	s3 =	sadd.s32 $0x88, s3;
	s6 =	simm.s32 @!p1 $0x1082;
	[sflag:s4] =	ssyncset.s32 $0xFFFFF086  }
0x25: {  	[simem:s6], [sflag:s4] =	dma.local [hbm:s3], $0xF7A  }
0x26: {  	[smem:$0x3F9F] =	sst s1;
	(tag) =	ssettag s2;
	_ =	strace s9  }
0x27: {  	s1 =	sld [smem:$0x3FAF]  }
0x28: {  	s2 =	sld [smem:$0x3FB0]  }
0x29: {  	s4 =	sld [smem:$0x3FB2]  }
0x2a: {  	p0 =	seq.s32 s5, $0x0;
	s5 =	sld [smem:$0x3FB3]  }
0x2b: {  	s6 =	sld [smem:$0x3FB4]  }
0x2c: {  	s7 =	sld [smem:$0x3FB5]  }
0x2d: {  	s3 =	simm.s32 $0x108;
	s8 =	sld [smem:$0x3FB6]  }
0x2e: {  	s3 =	simm.s32 @!p0 $0x1082;
	s9 =	sld [smem:$0x3FB7]  }
0x2f: {  	lr =	sadd.s32 s0, s3;
	s0 =	sld [smem:$0x3FAE]  }
0x30: {  	s3 =	sld [smem:$0x3FB1]  }
0x31: {  	[smem:$0x3FBA] =	sst s10  }
0x32: {  	s10 =	sld [smem:$0x3FB8];
	_ =	sdelay $0x3  }
0x33: {  	p0 =	seq.s32 s10, $0x1;
	s10 =	sld [smem:$0x3FBA];
	_ =	sdelay $0x3  }
0x34: {  	[smem:$0x3FBA] =	sst s10  }
0x35: {  	s10 =	sld [smem:$0x3FB9];
	_ =	sdelay $0x3  }
0x36: {  	p1 =	seq.s32 s10, $0x1;
	s10 =	sld [smem:$0x3FBA];
	_ =	sdelay $0x3  }
0x37: {  	[smem:$0x3FBA] =	sst s10  }
0x38: {  	s10 =	sld [smem:$0x3FBB]  }
0x39: {  	_ = 	snop;
	(pc) =	sbr.ind lr, $3  }
0x3a: {  	_ = 	snop  }
0x3b: {  	_ = 	snop  }
0x3c: {  	p2 =	seq.s32 s10, $0x1;
	s10 =	sld [smem:$0x3FBA]  }
0x3d: {  	_ =	shalt  }
0x3e: {  	_ =	shalt  }
0x3f: {  	_ =	shalt  }
0x40: {  	_ =	shalt  }
0x41: {  	_ =	shalt  }
0x42: {  	_ =	shalt  }
0x43: {  	_ =	shalt  }
0x44: {  	_ =	shalt  }
0x45: {  	_ =	shalt  }
0x46: {  	_ =	shalt  }
0x47: {  	_ =	shalt  }
0x48: {  	_ =	shalt  }
0x49: {  	_ =	shalt  }
0x4a: {  	_ =	shalt  }
0x4b: {  	_ =	shalt  }
0x4c: {  	_ =	shalt  }
0x4d: {  	_ =	shalt  }
0x4e: {  	_ =	shalt  }
0x4f: {  	_ =	shalt  }
0x50: {  	_ =	shalt  }
0x51: {  	_ =	shalt  }
0x52: {  	_ =	shalt  }
0x53: {  	_ =	shalt  }
0x54: {  	_ =	shalt  }
0x55: {  	_ =	shalt  }
0x56: {  	_ =	shalt  }
0x57: {  	_ =	shalt  }
0x58: {  	_ =	shalt  }
0x59: {  	_ =	shalt  }
0x5a: {  	_ =	shalt  }
0x5b: {  	_ =	shalt  }
0x5c: {  	_ =	shalt  }
0x5d: {  	_ =	shalt  }
0x5e: {  	_ =	shalt  }
0x5f: {  	_ =	shalt  }
0x60: {  	_ =	shalt  }
0x61: {  	_ =	shalt  }
0x62: {  	_ =	shalt  }
0x63: {  	_ =	shalt  }
0x64: {  	_ =	shalt  }
0x65: {  	_ =	shalt  }
0x66: {  	_ =	shalt  }
0x67: {  	_ =	shalt  }
0x68: {  	_ =	shalt  }
0x69: {  	_ =	shalt  }
0x6a: {  	_ =	shalt  }
0x6b: {  	_ =	shalt  }
0x6c: {  	_ =	shalt  }
0x6d: {  	_ =	shalt  }
0x6e: {  	_ =	shalt  }
0x6f: {  	_ =	shalt  }
0x70: {  	_ =	shalt  }
0x71: {  	_ =	shalt  }
0x72: {  	_ =	shalt  }
0x73: {  	_ =	shalt  }
0x74: {  	_ =	shalt  }
0x75: {  	_ =	shalt  }
0x76: {  	_ =	shalt  }
0x77: {  	_ =	shalt  }
0x78: {  	_ =	shalt  }
0x79: {  	_ =	shalt  }
0x7a: {  	_ =	shalt  }
0x7b: {  	_ =	shalt  }
0x7c: {  	_ =	shalt  }
0x7d: {  	_ =	shalt  }
0x7e: {  	_ =	shalt  }
0x7f: {  	_ =	shalt  }
0x80: {  	_ =	shalt  }
0x81: {  	_ =	shalt  }
0x82: {  	_ =	shalt  }
0x83: {  	_ =	shalt  }
0x84: {  	_ =	shalt  }
0x85: {  	_ =	shalt  }
0x86: {  	_ =	shalt  }
0x87: {  	_ =	shalt  }
.Lfunc_end0:
.L_simem_size_0:
called_computation.5_lowered:
.L_overlay_start_0:
0x88: {  	s2 =	sld [smem:$0x3FD9]  }
0x89: {  	s3 =	sld [smem:$0x3FFE];
	_ =	sdelay $0x1  }
0x8a: {  	s1 =	srdreg.scid  }
0x8b: {  	s0 =	sand.u32 $0x1, s1  }
0x8c: {  	s17 =	sshll.u32 s0, $0xA;
	s2 =	sadd.s32 s3, s2  }
0x8d: {  	s2 =	sadd.s32 s2, s17  }
0x8e: {  	[smem:$0x3FC6] =	sst s2  }
0x8f: {  	_ = 	snop  }
0x90: {  	(tm) =	ssettm $0x1  }
0x91: {  	s18 =	sld [smem:$0x3FFB];
	_ =	sdelay $0x3  }
0x92: {  	_ =	strace s18  }
0x93: {  	s2 =	sld [smem:$0x3FFC];
	_ =	sdelay $0x3  }
0x94: {  	_ =	strace s2  }
0x95: {  	s2 =	sld [smem:$0x3FFD];
	_ =	sdelay $0x3  }
0x96: {  	_ =	strace s2  }
0x97: {  	_ =	strace $0x8FFFFFFF  }
0x98: {  	s19 =	sld [smem:$0x3FDB];
	_ =	sdelay $0x1  }
0x99: {  	s20 =	simm.s32 $_scs_section_size  }
0x9a: {  	s4 =	simm.s32 $_size__tile_overlayer_lowered;
	s5 =	simm.s32 $_tile_overlayer_lowered  }
0x9b: {  	s6 =	simm.s32 $0x1BFF;
	s21 =	sshll.u32 s5, $0x1;
	s3 =	sadd.s32 s20, s19  }
0x9c: {  	s22 =	simm.s32 $0x0;
	s4 =	sshll.u32 s4, $0x1;
	s5 =	sadd.s32 s21, s3  }
0x9d: {  	[timem:s22], [sflag:s6] =	dma.local [hbm:s5], s4  }
0x9e: {  	_ =	swait.ge [sflag:s6], s4  }
0x9f: {  	s4 =	ssub.s32 $0x0, s4;
	[sflag:s6] =	ssyncset.done $0x0  }
0xa0: {  	[sflag:s6] =	ssyncadd.s32 s4;
	_ =	sdelay $0x1  }
0xa1: {  	s23 =	simm.s32 $0x1B8B  }
0xa2: {  	_ =	swait.ge [sflag:s23], $0x1  }
0xa3: {  	[sflag:s23] =	ssyncset.done $0x0  }
0xa4: {  	[sflag:s23] =	ssyncadd.s32 $0xFFFFFFFF  }
0xa5: {  	s4 =	sld [smem:$0x0]  }
0xa6: {  	s5 =	sand.u32 $0xFFFFFFFE, s1  }
0xa7: {  	p0 =	sne.s32 s1, s5  }
0xa8: {  	s5 =	sshll.u32 @p0 s5, $0xE  }
0xa9: {  	s5 =	sadd.s32 @p0 $0x11B8D, s5;
	s6 =	sshll.u32 @p0 s4, $0x11  }
0xaa: {  	s5 =	sor.u32 @p0 s6, s5  }
0xab: {  	[sflag:s5] =	ssyncadd.remote.s32 @p0 $0x1;
	_ =	sdelay $0x1  }
0xac: {  	s5 =	simm.s32 @p0 $0x1B8D  }
0xad: {  	_ =	swait.eq @p0 [sflag:s5], $0x1  }
0xae: {  	[sflag:s5] =	ssyncadd.s32 @p0 $0xFFFFFFFF  }
0xaf: {  	s6 =	sshll.u32 @!p0 s1, $0xE  }
0xb0: {  	s6 =	sor.u32 @!p0 $0x4000, s6;
	s5 =	simm.s32 @!p0 $0x1B8D  }
0xb1: {  	s4 =	sshll.u32 @!p0 s4, $0x11;
	s6 =	sadd.s32 @!p0 $0x11B8D, s6;
	_ =	swait.eq @!p0 [sflag:s5], $0x1  }
0xb2: {  	s4 =	sor.u32 @!p0 s4, s6;
	[sflag:s5] =	ssyncadd.s32 @!p0 $0xFFFFFFFF  }
0xb3: {  	s25 =	simm.s32 $0x1B8E;
	s24 =	sld [smem:$0x3FFE];
	[sflag:s4] =	ssyncadd.remote.s32 @!p0 $0x1  }
0xb4: {  	s26 =	simm.s32 $execute0_lowered;
	[smem:$0x3FD2] =	sst s25  }
0xb5: {  	s5 =	sshll.u32 s26, $0x1;
	_ =	strace $0x80000055;
	[dreg:$0x1] =	wrdreg $0xFFFFFFFF  }
0xb6: {  	s28 =	simm.s32 $_size_execute0_lowered;
	s3 =	sadd.s32 s3, s5;
	[dreg:$0x0] =	wrdreg $0x0  }
0xb7: {  	s5 =	sshll.u32 s28, $0x1;
	[dreg:$0x2] =	wrdreg s3  }
0xb8: {  	[dreg:$0x3] =	wrdreg s5  }
0xb9: {  	[dreg:$0x4] =	wrdreg $0xC0  }
0xba: {  	_ =	task [dreg:s22], $0x5FFFF  }
0xbb: {  	[dreg:$0x1] =	wrdreg $0xFFFFFFFF  }
0xbc: {  	[dreg:$0x0] =	wrdreg $0x60  }
0xbd: {  	[dreg:$0x2] =	wrdreg s24  }
0xbe: {  	[dreg:$0x3] =	wrdreg $0xE  }
0xbf: {  	_ =	task.clear_ibuf [dreg:s22], $0x4FFFF;
	_ =	strace $0x90000055  }
0xc0: {  	s29 =	simm.s32 $0xE;
	_ =	strace $0x80000057  }
0xc1: {  	_ =	swait.ge [sflag:s29], $0x1  }
0xc2: {  	[sflag:s29] =	ssyncadd.s32 $0xFFFFFFFF  }
0xc3: {  	_ =	strace $0x90000057  }
0xc4: {  	_ =	sfence  }
0xc5: {  	s30 =	sld [smem:$0x0];
	_ =	sdelay $0x2  }
0xc6: {  	s31 =	sshll.u32 s1, $0xD;
	s1 =	sshrl.u32 s1, $0x2  }
0xc7: {  	s4 =	sand.u32 $0x4000, s31;
	s1 =	sadd.s32 s1, s30  }
0xc8: {  	s0 =	sor.u32 s4, s0;
	s1 =	sshll.u32 s1, $0x11  }
0xc9: {  	s0 =	sor.u32 s1, s0  }
0xca: {  	s0 =	sadd.s32 $0x8F2B, s0  }
0xcb: {  	[sflag:s0] =	ssyncadd.remote.s32 $0x1  }
0xcc: {  	_ =	sfence.sel $0xFFFF  }
0xcd: {  	[dreg:$0x0] =	wrdreg $0xFFFFFFFF;
	(pc) =	sbr.abs _section_cstart, $3  }
0xce: {  	[dreg:$0x1] =	wrdreg $0xFFFFFFFF  }
0xcf: {  	_ =	task.clear_ibuf [dreg:s22], $0x2FFFF;
	_ =	strace $0x9FFFFFFF  }
0xd0: {  	(tm) =	ssettm $0x7FFFFFFF  }
0xd1: {  	_ =	shalt  }
tec
execute0_lowered:
.L_overlay_start_1:
0x0: {  	(tag) =	ssettag $0x1  }
0x1: {  	s1 =	srdreg.scid  }
0x2: {  	s0 =	stileid.u32;
	s3 =	sand.u32 $0x1, s1  }
0x3: {  	s5 =	rddreg [dreg:$0x0];
	s4 =	sshll.u32 s0, $0x7;
	s6 =	sshll.u32 s3, $0x6  }
0x4: {  	s2 =	simm.s32 $0x0;
	s1 =	rddreg [dreg:$0x1];
	s4 =	sor.u32 s6, s4  }
0x5: {  	[smem:$0x7FF] =	sst s2;
	s8 =	ssub.s32 $0x2, s3;
	s6 =	sshrl.u32 s4, $0x3  }
0x6: {  	_ =	strace $0x80000056;
	s30 =	sshrl.u32 s8, $0x1;
	s6 =	sadd.s32 s6, s5  }
0x7: {  	s7 =	sshll.u32 s4, $0x4;
	s4 =	sadd.s32 $0x2C000, s6;
	s6 =	ssub.s32 s8, s30  }
0x8: {  	[tilespmem:s2], [sflag:$0x1] =	stream.linear.gather [hbm4b:s4+s2], $0x40, $0x38;
	[tilespmem:$0x2080] =	vst v63  }
0x9: {  	s3 =	simm.s32 $0x1;
	s31 =	smax.u32 s6, $0x1  }
0xa: {  	_ =	swait.ge [sflag:s3], $0x40;
	p0 =	sne.s32 s31, $0x1  }
.Ltmp0:
0xb: {  	s5 =	sadd.s32 s7, s5;
	[sflag:s3] =	ssyncset.done $0x0;
	(pc) =	sbr.rel @!p0 .LBB2_2-.Ltmp0, $4  }
0xc: {  	s5 =	sadd.s32 $0x2C200, s5;
	s6 =	simm.s32 $0x80;
	[sflag:s3] =	ssyncadd.s32 $0xFFFFFFC0  }
0xd: {  	[hbm4b:s5+s2] =	stream.linear.scatter [tilespmem:s6], [sflag:$0x1], $0x2000, $0x38;
	[tilespmem:$0x2080] =	vst v63  }
0xe: {  	_ =	swait.ge [sflag:s3], $0x2000  }
0xf: {  	s7 =	sadd.s32 $0xFFFFFFFF, s31;
	[sflag:s3] =	ssyncset.done $0x0  }
.LBB2_1:
0x10: {  	p0 =	sne.s32 s7, $0x1;
	s7 =	sadd.s32 $0xFFFFFFFF, s7;
	[sflag:s3] =	ssyncadd.s32 $0xFFFFE000  }
0x11: {  	[tilespmem:s2], [sflag:$0x1] =	stream.linear.gather [hbm4b:s4+s2], $0x40, $0x38;
	[tilespmem:$0x2080] =	vst v63  }
0x12: {  	_ =	swait.ge [sflag:s3], $0x40  }
.Ltmp1:
0x13: {  	[sflag:s3] =	ssyncset.done $0x0;
	(pc) =	sbr.rel @p0 .LBB2_1-.Ltmp1, $4  }
0x14: {  	[sflag:s3] =	ssyncadd.s32 $0xFFFFFFC0  }
0x15: {  	[hbm4b:s5+s2] =	stream.linear.scatter [tilespmem:s6], [sflag:$0x1], $0x2000, $0x38;
	[tilespmem:$0x2080] =	vst v63  }
0x16: {  	_ =	swait.ge [sflag:s3], $0x2000  }
0x17: {  	[sflag:s3] =	ssyncset.done $0x0  }
.LBB2_2:
0x18: {  	[sflag:s3] =	ssyncadd.s32 $0xFFFFE000  }
0x19: {  	_ =	sfence.sel $0x180000  }
0x1a: {  	[bflag:$0x0] =	sbarrier.arrive $0xFFFF  }
0x1b: {  	p0 =	sne.s32 s0, $0x0;
	_ =	strace $0x90000056  }
0x1c: {  	s0 =	sadd.s32 @!p0 $0x100000, s1;
	[bflag:$0x2] =	sbarrier.arrive $0xFFFF  }
0x1d: {  	[sflag:s0] =	ssyncadd.tile.s32 @!p0 $0x1;
	_ =	shalt  }
.Lfunc_end2:
_tile_overlayer_lowered:
.L_overlay_start_2:
0x1e: {  	(tag) =	ssettag $0x2  }
0x1f: {  	s0 =	rddreg [dreg:$0x0];
	s2 =	stileid.u32  }
0x20: {  	s1 =	rddreg [dreg:$0x1];
	p0 =	sne.s32 s2, $0x0  }
0x21: {  	s3 =	rddreg [dreg:$0x2];
	[bflag:$0x3] =	sbarrier.arrive $0xFFFF;
	s2 =	simm.s32 @!p0 $0x1C01  }
0x22: {  	[timem:s3], [sflag:s2] =	dma.local @!p0 [hbm:s0], s1  }
0x23: {  	s0 =	simm.s32 @!p0 $0x1  }
0x24: {  	_ =	swait.ge @!p0 [sflag:s0], s1  }
0x25: {  	s1 =	ssub.s32 @!p0 $0x0, s1;
	[sflag:s0] =	ssyncset.done @!p0 $0x0  }
0x26: {  	[sflag:s0] =	ssyncadd.s32 @!p0 s1  }
0x27: {  	[bflag:$0x3] =	sbarrier.arrive $0xFFFF  }
0x28: {  	_ =	shalt  }

// kernel: kernel.38.cloned.1.call-start
scs
__scs_entry_jumppad:
0x0: {  	(pc) =	sbr.rel $0x88, $3  }
0x1: {  	(tag) =	ssettag $0x0;
	lr =	simm.s32 $0x1  }
0x2: {  	[smem:$0x3F9F] =	sst lr;
	_ =	strace $0xD0000000  }
0x3: {  	_ = 	snop  }
0x4: {  	_ = 	snop  }
0x5: {  	_ = 	snop  }
0x6: {  	_ = 	snop  }
0x7: {  	_ = 	snop  }
__scs_overlays_trampoline_lowered:
0x8: {  	[smem:$0x3FAE] =	sst s0  }
0x9: {  	[smem:$0x3FAF] =	sst s1  }
0xa: {  	[smem:$0x3FB0] =	sst s2  }
0xb: {  	[smem:$0x3FB1] =	sst s3  }
0xc: {  	[smem:$0x3FB2] =	sst s4  }
0xd: {  	[smem:$0x3FB3] =	sst s5  }
0xe: {  	[smem:$0x3FB4] =	sst s6  }
0xf: {  	[smem:$0x3FB5] =	sst s7  }
0x10: {  	[smem:$0x3FB6] =	sst s8  }
0x11: {  	[smem:$0x3FB7] =	sst s9;
	s0 =	simm.s32 @!p0 $0x0  }
0x12: {  	s1 =	sld [smem:$0x3F9D];
	s0 =	simm.s32 @p0 $0x1  }
0x13: {  	[smem:$0x3FB8] =	sst s0;
	s0 =	simm.s32 @!p1 $0x0  }
0x14: {  	s2 =	sld [smem:$0x3F9C];
	s0 =	simm.s32 @p1 $0x1  }
0x15: {  	[smem:$0x3FB9] =	sst s0;
	s0 =	simm.s32 @!p2 $0x0  }
0x16: {  	s3 =	sld [smem:$0x3FDB];
	s0 =	simm.s32 @p2 $0x1  }
0x17: {  	s4 =	simm.s32 $0x1BF5;
	[smem:$0x3FBB] =	sst s0  }
0x18: {  	s0 =	sld [smem:$0x3F9E];
	_ =	swait.ge [sflag:s4], $0x0  }
0x19: {  	s7 =	sld [smem:$0x3F9F]  }
0x1a: {  	s8 =	sadd.s32 $0xFFFFE003, lr  }
0x1b: {  	s9 =	sadd.s32 $0xFFFFFEF7, lr;
	s5 =	simm.s32 $0xFFFFFFFF;
	p2 =	slt.u32 s8, $0xFFFFF086  }
0x1c: {  	p1 =	slt.u32 s9, $0xF7A;
	s5 =	simm.s32 @!p2 $0x0  }
0x1d: {  	s5 =	simm.s32 @p1 $0x1;
	p0 =	seq.s32 s7, s2  }
0x1e: {  	s7 =	smul.u32 @!p0 $0xF7A, s2;
	p2 =	seq.s32 @!p0 s5, $0x0  }
0x1f: {  	s9 =	smul.u32 $0xF7A, s1;
	s8 =	simm.s32 @!p0 $0x1BF5;
	p2 =	por !p2, p0  }
0x20: {  	[sflag:s8] =	ssyncset.s32 @!p0 $0xFFFFF086;
	s6 =	sadd.s32 @!p0 s3, s7;
	s7 =	simm.s32 @!p0 $0x108  }
0x21: {  	s3 =	sadd.s32 s3, s9;
	s6 =	sadd.s32 @!p0 $0x88, s6;
	s7 =	simm.s32 @p2 $0x1082  }
0x22: {  	[simem:s7], [sflag:s8] =	dma.local @!p0 [hbm:s6], $0xF7A  }
0x23: {  	s9 =	sor.u32 $0xD0000000, s2;
	s6 =	simm.s32 $0x108;
	_ =	swait.ge @!p0 [sflag:s8], $0x0  }
0x24: {  	s3 =	sadd.s32 $0x88, s3;
	s6 =	simm.s32 @!p1 $0x1082;
	[sflag:s4] =	ssyncset.s32 $0xFFFFF086  }
0x25: {  	[simem:s6], [sflag:s4] =	dma.local [hbm:s3], $0xF7A  }
0x26: {  	[smem:$0x3F9F] =	sst s1;
	(tag) =	ssettag s2;
	_ =	strace s9  }
0x27: {  	s1 =	sld [smem:$0x3FAF]  }
0x28: {  	s2 =	sld [smem:$0x3FB0]  }
0x29: {  	s4 =	sld [smem:$0x3FB2]  }
0x2a: {  	p0 =	seq.s32 s5, $0x0;
	s5 =	sld [smem:$0x3FB3]  }
0x2b: {  	s6 =	sld [smem:$0x3FB4]  }
0x2c: {  	s7 =	sld [smem:$0x3FB5]  }
0x2d: {  	s3 =	simm.s32 $0x108;
	s8 =	sld [smem:$0x3FB6]  }
0x2e: {  	s3 =	simm.s32 @!p0 $0x1082;
	s9 =	sld [smem:$0x3FB7]  }
0x2f: {  	lr =	sadd.s32 s0, s3;
	s0 =	sld [smem:$0x3FAE]  }
0x30: {  	s3 =	sld [smem:$0x3FB1]  }
0x31: {  	[smem:$0x3FBA] =	sst s10  }
0x32: {  	s10 =	sld [smem:$0x3FB8];
	_ =	sdelay $0x3  }
0x33: {  	p0 =	seq.s32 s10, $0x1;
	s10 =	sld [smem:$0x3FBA];
	_ =	sdelay $0x3  }
0x34: {  	[smem:$0x3FBA] =	sst s10  }
0x35: {  	s10 =	sld [smem:$0x3FB9];
	_ =	sdelay $0x3  }
0x36: {  	p1 =	seq.s32 s10, $0x1;
	s10 =	sld [smem:$0x3FBA];
	_ =	sdelay $0x3  }
0x37: {  	[smem:$0x3FBA] =	sst s10  }
0x38: {  	s10 =	sld [smem:$0x3FBB]  }
0x39: {  	_ = 	snop;
	(pc) =	sbr.ind lr, $3  }
0x3a: {  	_ = 	snop  }
0x3b: {  	_ = 	snop  }
0x3c: {  	p2 =	seq.s32 s10, $0x1;
	s10 =	sld [smem:$0x3FBA]  }
0x3d: {  	_ =	shalt  }
0x3e: {  	_ =	shalt  }
0x3f: {  	_ =	shalt  }
0x40: {  	_ =	shalt  }
0x41: {  	_ =	shalt  }
0x42: {  	_ =	shalt  }
0x43: {  	_ =	shalt  }
0x44: {  	_ =	shalt  }
0x45: {  	_ =	shalt  }
0x46: {  	_ =	shalt  }
0x47: {  	_ =	shalt  }
0x48: {  	_ =	shalt  }
0x49: {  	_ =	shalt  }
0x4a: {  	_ =	shalt  }
0x4b: {  	_ =	shalt  }
0x4c: {  	_ =	shalt  }
0x4d: {  	_ =	shalt  }
0x4e: {  	_ =	shalt  }
0x4f: {  	_ =	shalt  }
0x50: {  	_ =	shalt  }
0x51: {  	_ =	shalt  }
0x52: {  	_ =	shalt  }
0x53: {  	_ =	shalt  }
0x54: {  	_ =	shalt  }
0x55: {  	_ =	shalt  }
0x56: {  	_ =	shalt  }
0x57: {  	_ =	shalt  }
0x58: {  	_ =	shalt  }
0x59: {  	_ =	shalt  }
0x5a: {  	_ =	shalt  }
0x5b: {  	_ =	shalt  }
0x5c: {  	_ =	shalt  }
0x5d: {  	_ =	shalt  }
0x5e: {  	_ =	shalt  }
0x5f: {  	_ =	shalt  }
0x60: {  	_ =	shalt  }
0x61: {  	_ =	shalt  }
0x62: {  	_ =	shalt  }
0x63: {  	_ =	shalt  }
0x64: {  	_ =	shalt  }
0x65: {  	_ =	shalt  }
0x66: {  	_ =	shalt  }
0x67: {  	_ =	shalt  }
0x68: {  	_ =	shalt  }
0x69: {  	_ =	shalt  }
0x6a: {  	_ =	shalt  }
0x6b: {  	_ =	shalt  }
0x6c: {  	_ =	shalt  }
0x6d: {  	_ =	shalt  }
0x6e: {  	_ =	shalt  }
0x6f: {  	_ =	shalt  }
0x70: {  	_ =	shalt  }
0x71: {  	_ =	shalt  }
0x72: {  	_ =	shalt  }
0x73: {  	_ =	shalt  }
0x74: {  	_ =	shalt  }
0x75: {  	_ =	shalt  }
0x76: {  	_ =	shalt  }
0x77: {  	_ =	shalt  }
0x78: {  	_ =	shalt  }
0x79: {  	_ =	shalt  }
0x7a: {  	_ =	shalt  }
0x7b: {  	_ =	shalt  }
0x7c: {  	_ =	shalt  }
0x7d: {  	_ =	shalt  }
0x7e: {  	_ =	shalt  }
0x7f: {  	_ =	shalt  }
0x80: {  	_ =	shalt  }
0x81: {  	_ =	shalt  }
0x82: {  	_ =	shalt  }
0x83: {  	_ =	shalt  }
0x84: {  	_ =	shalt  }
0x85: {  	_ =	shalt  }
0x86: {  	_ =	shalt  }
0x87: {  	_ =	shalt  }
.Lfunc_end0:
.L_simem_size_0:
called_computation.6_lowered:
.L_overlay_start_0:
0x88: {  	s2 =	sld [smem:$0x3FD9]  }
0x89: {  	s3 =	sld [smem:$0x3FFE];
	_ =	sdelay $0x1  }
0x8a: {  	s1 =	srdreg.scid  }
0x8b: {  	s0 =	sand.u32 $0x1, s1  }
0x8c: {  	s17 =	sshll.u32 s0, $0xA;
	s2 =	sadd.s32 s3, s2  }
0x8d: {  	s2 =	sadd.s32 s2, s17  }
0x8e: {  	[smem:$0x3FC6] =	sst s2  }
0x8f: {  	_ = 	snop  }
0x90: {  	(tm) =	ssettm $0x1  }
0x91: {  	s18 =	sld [smem:$0x3FFB];
	_ =	sdelay $0x3  }
0x92: {  	_ =	strace s18  }
0x93: {  	s2 =	sld [smem:$0x3FFC];
	_ =	sdelay $0x3  }
0x94: {  	_ =	strace s2  }
0x95: {  	s2 =	sld [smem:$0x3FFD];
	_ =	sdelay $0x3  }
0x96: {  	_ =	strace s2  }
0x97: {  	_ =	strace $0x8FFFFFFF  }
0x98: {  	s19 =	sld [smem:$0x3FDB];
	_ =	sdelay $0x1  }
0x99: {  	s20 =	simm.s32 $_scs_section_size  }
0x9a: {  	s4 =	simm.s32 $_size__tile_overlayer_lowered;
	s5 =	simm.s32 $_tile_overlayer_lowered  }
0x9b: {  	s6 =	simm.s32 $0x1BFF;
	s21 =	sshll.u32 s5, $0x1;
	s3 =	sadd.s32 s20, s19  }
0x9c: {  	s22 =	simm.s32 $0x0;
	s4 =	sshll.u32 s4, $0x1;
	s5 =	sadd.s32 s21, s3  }
0x9d: {  	[timem:s22], [sflag:s6] =	dma.local [hbm:s5], s4  }
0x9e: {  	_ =	swait.ge [sflag:s6], s4  }
0x9f: {  	s4 =	ssub.s32 $0x0, s4;
	[sflag:s6] =	ssyncset.done $0x0  }
0xa0: {  	[sflag:s6] =	ssyncadd.s32 s4;
	_ =	sdelay $0x1  }
0xa1: {  	s23 =	simm.s32 $0x1B8B  }
0xa2: {  	_ =	swait.ge [sflag:s23], $0x1  }
0xa3: {  	[sflag:s23] =	ssyncset.done $0x0  }
0xa4: {  	[sflag:s23] =	ssyncadd.s32 $0xFFFFFFFF  }
0xa5: {  	s4 =	sld [smem:$0x0]  }
0xa6: {  	s5 =	sand.u32 $0xFFFFFFFE, s1  }
0xa7: {  	p0 =	sne.s32 s1, s5  }
0xa8: {  	s5 =	sshll.u32 @p0 s5, $0xE  }
0xa9: {  	s5 =	sadd.s32 @p0 $0x11B8D, s5;
	s6 =	sshll.u32 @p0 s4, $0x11  }
0xaa: {  	s5 =	sor.u32 @p0 s6, s5  }
0xab: {  	[sflag:s5] =	ssyncadd.remote.s32 @p0 $0x1;
	_ =	sdelay $0x1  }
0xac: {  	s5 =	simm.s32 @p0 $0x1B8D  }
0xad: {  	_ =	swait.eq @p0 [sflag:s5], $0x1  }
0xae: {  	[sflag:s5] =	ssyncadd.s32 @p0 $0xFFFFFFFF  }
0xaf: {  	s6 =	sshll.u32 @!p0 s1, $0xE  }
0xb0: {  	s6 =	sor.u32 @!p0 $0x4000, s6;
	s5 =	simm.s32 @!p0 $0x1B8D  }
0xb1: {  	s4 =	sshll.u32 @!p0 s4, $0x11;
	s6 =	sadd.s32 @!p0 $0x11B8D, s6;
	_ =	swait.eq @!p0 [sflag:s5], $0x1  }
0xb2: {  	s4 =	sor.u32 @!p0 s4, s6;
	[sflag:s5] =	ssyncadd.s32 @!p0 $0xFFFFFFFF  }
0xb3: {  	s25 =	simm.s32 $0x1B8E;
	s24 =	sld [smem:$0x3FFE];
	[sflag:s4] =	ssyncadd.remote.s32 @!p0 $0x1  }
0xb4: {  	s26 =	simm.s32 $execute0_lowered;
	[smem:$0x3FD2] =	sst s25  }
0xb5: {  	s5 =	sshll.u32 s26, $0x1;
	_ =	strace $0x80000058;
	[dreg:$0x1] =	wrdreg $0xFFFFFFFF  }
0xb6: {  	s28 =	simm.s32 $_size_execute0_lowered;
	s3 =	sadd.s32 s3, s5;
	[dreg:$0x0] =	wrdreg $0x0  }
0xb7: {  	s5 =	sshll.u32 s28, $0x1;
	[dreg:$0x2] =	wrdreg s3  }
0xb8: {  	[dreg:$0x3] =	wrdreg s5  }
0xb9: {  	[dreg:$0x4] =	wrdreg $0xC0  }
0xba: {  	_ =	task [dreg:s22], $0x5FFFF  }
0xbb: {  	[dreg:$0x1] =	wrdreg $0xFFFFFFFF  }
0xbc: {  	[dreg:$0x0] =	wrdreg $0x60  }
0xbd: {  	[dreg:$0x2] =	wrdreg s24  }
0xbe: {  	[dreg:$0x3] =	wrdreg $0xF  }
0xbf: {  	_ =	task.clear_ibuf [dreg:s22], $0x4FFFF;
	_ =	strace $0x90000058  }
0xc0: {  	s29 =	simm.s32 $0xF;
	_ =	strace $0x8000005A  }
0xc1: {  	_ =	swait.ge [sflag:s29], $0x1  }
0xc2: {  	[sflag:s29] =	ssyncadd.s32 $0xFFFFFFFF  }
0xc3: {  	_ =	strace $0x9000005A  }
0xc4: {  	_ =	sfence  }
0xc5: {  	s30 =	sld [smem:$0x0];
	_ =	sdelay $0x2  }
0xc6: {  	s31 =	sshll.u32 s1, $0xD;
	s1 =	sshrl.u32 s1, $0x2  }
0xc7: {  	s4 =	sand.u32 $0x4000, s31;
	s1 =	sadd.s32 s1, s30  }
0xc8: {  	s0 =	sor.u32 s4, s0;
	s1 =	sshll.u32 s1, $0x11  }
0xc9: {  	s0 =	sor.u32 s1, s0  }
0xca: {  	s0 =	sadd.s32 $0x8F2B, s0  }
0xcb: {  	[sflag:s0] =	ssyncadd.remote.s32 $0x1  }
0xcc: {  	_ =	sfence.sel $0xFFFF  }
0xcd: {  	[dreg:$0x0] =	wrdreg $0xFFFFFFFF;
	(pc) =	sbr.abs _section_cstart, $3  }
0xce: {  	[dreg:$0x1] =	wrdreg $0xFFFFFFFF  }
0xcf: {  	_ =	task.clear_ibuf [dreg:s22], $0x2FFFF;
	_ =	strace $0x9FFFFFFF  }
0xd0: {  	(tm) =	ssettm $0x7FFFFFFF  }
0xd1: {  	_ =	shalt  }
tec
execute0_lowered:
.L_overlay_start_1:
0x0: {  	(tag) =	ssettag $0x1  }
0x1: {  	s1 =	srdreg.scid  }
0x2: {  	s0 =	stileid.u32;
	s3 =	sand.u32 $0x1, s1  }
0x3: {  	s5 =	rddreg [dreg:$0x0];
	s4 =	sshll.u32 s0, $0x7;
	s6 =	sshll.u32 s3, $0x6  }
0x4: {  	s2 =	simm.s32 $0x0;
	s1 =	rddreg [dreg:$0x1];
	s4 =	sor.u32 s6, s4  }
0x5: {  	[smem:$0x7FF] =	sst s2;
	s8 =	ssub.s32 $0x2, s3;
	s6 =	sshrl.u32 s4, $0x3  }
0x6: {  	_ =	strace $0x80000059;
	s30 =	sshrl.u32 s8, $0x1;
	s6 =	sadd.s32 s6, s5  }
0x7: {  	s7 =	sshll.u32 s4, $0x4;
	s4 =	sadd.s32 $0x34200, s6;
	s6 =	ssub.s32 s8, s30  }
0x8: {  	[tilespmem:s2], [sflag:$0x1] =	stream.linear.gather [hbm4b:s4+s2], $0x40, $0x38;
	[tilespmem:$0x2080] =	vst v63  }
0x9: {  	s3 =	simm.s32 $0x1;
	s31 =	smax.u32 s6, $0x1  }
0xa: {  	_ =	swait.ge [sflag:s3], $0x40;
	p0 =	sne.s32 s31, $0x1  }
.Ltmp0:
0xb: {  	s5 =	sadd.s32 s7, s5;
	[sflag:s3] =	ssyncset.done $0x0;
	(pc) =	sbr.rel @!p0 .LBB2_2-.Ltmp0, $4  }
0xc: {  	s5 =	sadd.s32 $0x34400, s5;
	s6 =	simm.s32 $0x80;
	[sflag:s3] =	ssyncadd.s32 $0xFFFFFFC0  }
0xd: {  	[hbm4b:s5+s2] =	stream.linear.scatter [tilespmem:s6], [sflag:$0x1], $0x2000, $0x38;
	[tilespmem:$0x2080] =	vst v63  }
0xe: {  	_ =	swait.ge [sflag:s3], $0x2000  }
0xf: {  	s7 =	sadd.s32 $0xFFFFFFFF, s31;
	[sflag:s3] =	ssyncset.done $0x0  }
.LBB2_1:
0x10: {  	p0 =	sne.s32 s7, $0x1;
	s7 =	sadd.s32 $0xFFFFFFFF, s7;
	[sflag:s3] =	ssyncadd.s32 $0xFFFFE000  }
0x11: {  	[tilespmem:s2], [sflag:$0x1] =	stream.linear.gather [hbm4b:s4+s2], $0x40, $0x38;
	[tilespmem:$0x2080] =	vst v63  }
0x12: {  	_ =	swait.ge [sflag:s3], $0x40  }
.Ltmp1:
0x13: {  	[sflag:s3] =	ssyncset.done $0x0;
	(pc) =	sbr.rel @p0 .LBB2_1-.Ltmp1, $4  }
0x14: {  	[sflag:s3] =	ssyncadd.s32 $0xFFFFFFC0  }
0x15: {  	[hbm4b:s5+s2] =	stream.linear.scatter [tilespmem:s6], [sflag:$0x1], $0x2000, $0x38;
	[tilespmem:$0x2080] =	vst v63  }
0x16: {  	_ =	swait.ge [sflag:s3], $0x2000  }
0x17: {  	[sflag:s3] =	ssyncset.done $0x0  }
.LBB2_2:
0x18: {  	[sflag:s3] =	ssyncadd.s32 $0xFFFFE000  }
0x19: {  	_ =	sfence.sel $0x180000  }
0x1a: {  	[bflag:$0x0] =	sbarrier.arrive $0xFFFF  }
0x1b: {  	p0 =	sne.s32 s0, $0x0;
	_ =	strace $0x90000059  }
0x1c: {  	s0 =	sadd.s32 @!p0 $0x100000, s1;
	[bflag:$0x2] =	sbarrier.arrive $0xFFFF  }
0x1d: {  	[sflag:s0] =	ssyncadd.tile.s32 @!p0 $0x1;
	_ =	shalt  }
.Lfunc_end2:
_tile_overlayer_lowered:
.L_overlay_start_2:
0x1e: {  	(tag) =	ssettag $0x2  }
0x1f: {  	s0 =	rddreg [dreg:$0x0];
	s2 =	stileid.u32  }
0x20: {  	s1 =	rddreg [dreg:$0x1];
	p0 =	sne.s32 s2, $0x0  }
0x21: {  	s3 =	rddreg [dreg:$0x2];
	[bflag:$0x3] =	sbarrier.arrive $0xFFFF;
	s2 =	simm.s32 @!p0 $0x1C01  }
0x22: {  	[timem:s3], [sflag:s2] =	dma.local @!p0 [hbm:s0], s1  }
0x23: {  	s0 =	simm.s32 @!p0 $0x1  }
0x24: {  	_ =	swait.ge @!p0 [sflag:s0], s1  }
0x25: {  	s1 =	ssub.s32 @!p0 $0x0, s1;
	[sflag:s0] =	ssyncset.done @!p0 $0x0  }
0x26: {  	[sflag:s0] =	ssyncadd.s32 @!p0 s1  }
0x27: {  	[bflag:$0x3] =	sbarrier.arrive $0xFFFF  }
0x28: {  	_ =	shalt  }

// kernel: kernel.41.cloned.1.call-start
scs
__scs_entry_jumppad:
0x0: {  	(pc) =	sbr.rel $0x88, $3  }
0x1: {  	(tag) =	ssettag $0x0;
	lr =	simm.s32 $0x1  }
0x2: {  	[smem:$0x3F9F] =	sst lr;
	_ =	strace $0xD0000000  }
0x3: {  	_ = 	snop  }
0x4: {  	_ = 	snop  }
0x5: {  	_ = 	snop  }
0x6: {  	_ = 	snop  }
0x7: {  	_ = 	snop  }
__scs_overlays_trampoline_lowered:
0x8: {  	[smem:$0x3FAE] =	sst s0  }
0x9: {  	[smem:$0x3FAF] =	sst s1  }
0xa: {  	[smem:$0x3FB0] =	sst s2  }
0xb: {  	[smem:$0x3FB1] =	sst s3  }
0xc: {  	[smem:$0x3FB2] =	sst s4  }
0xd: {  	[smem:$0x3FB3] =	sst s5  }
0xe: {  	[smem:$0x3FB4] =	sst s6  }
0xf: {  	[smem:$0x3FB5] =	sst s7  }
0x10: {  	[smem:$0x3FB6] =	sst s8  }
0x11: {  	[smem:$0x3FB7] =	sst s9;
	s0 =	simm.s32 @!p0 $0x0  }
0x12: {  	s1 =	sld [smem:$0x3F9D];
	s0 =	simm.s32 @p0 $0x1  }
0x13: {  	[smem:$0x3FB8] =	sst s0;
	s0 =	simm.s32 @!p1 $0x0  }
0x14: {  	s2 =	sld [smem:$0x3F9C];
	s0 =	simm.s32 @p1 $0x1  }
0x15: {  	[smem:$0x3FB9] =	sst s0;
	s0 =	simm.s32 @!p2 $0x0  }
0x16: {  	s3 =	sld [smem:$0x3FDB];
	s0 =	simm.s32 @p2 $0x1  }
0x17: {  	s4 =	simm.s32 $0x1BF5;
	[smem:$0x3FBB] =	sst s0  }
0x18: {  	s0 =	sld [smem:$0x3F9E];
	_ =	swait.ge [sflag:s4], $0x0  }
0x19: {  	s7 =	sld [smem:$0x3F9F]  }
0x1a: {  	s8 =	sadd.s32 $0xFFFFE003, lr  }
0x1b: {  	s9 =	sadd.s32 $0xFFFFFEF7, lr;
	s5 =	simm.s32 $0xFFFFFFFF;
	p2 =	slt.u32 s8, $0xFFFFF086  }
0x1c: {  	p1 =	slt.u32 s9, $0xF7A;
	s5 =	simm.s32 @!p2 $0x0  }
0x1d: {  	s5 =	simm.s32 @p1 $0x1;
	p0 =	seq.s32 s7, s2  }
0x1e: {  	s7 =	smul.u32 @!p0 $0xF7A, s2;
	p2 =	seq.s32 @!p0 s5, $0x0  }
0x1f: {  	s9 =	smul.u32 $0xF7A, s1;
	s8 =	simm.s32 @!p0 $0x1BF5;
	p2 =	por !p2, p0  }
0x20: {  	[sflag:s8] =	ssyncset.s32 @!p0 $0xFFFFF086;
	s6 =	sadd.s32 @!p0 s3, s7;
	s7 =	simm.s32 @!p0 $0x108  }
0x21: {  	s3 =	sadd.s32 s3, s9;
	s6 =	sadd.s32 @!p0 $0x88, s6;
	s7 =	simm.s32 @p2 $0x1082  }
0x22: {  	[simem:s7], [sflag:s8] =	dma.local @!p0 [hbm:s6], $0xF7A  }
0x23: {  	s9 =	sor.u32 $0xD0000000, s2;
	s6 =	simm.s32 $0x108;
	_ =	swait.ge @!p0 [sflag:s8], $0x0  }
0x24: {  	s3 =	sadd.s32 $0x88, s3;
	s6 =	simm.s32 @!p1 $0x1082;
	[sflag:s4] =	ssyncset.s32 $0xFFFFF086  }
0x25: {  	[simem:s6], [sflag:s4] =	dma.local [hbm:s3], $0xF7A  }
0x26: {  	[smem:$0x3F9F] =	sst s1;
	(tag) =	ssettag s2;
	_ =	strace s9  }
0x27: {  	s1 =	sld [smem:$0x3FAF]  }
0x28: {  	s2 =	sld [smem:$0x3FB0]  }
0x29: {  	s4 =	sld [smem:$0x3FB2]  }
0x2a: {  	p0 =	seq.s32 s5, $0x0;
	s5 =	sld [smem:$0x3FB3]  }
0x2b: {  	s6 =	sld [smem:$0x3FB4]  }
0x2c: {  	s7 =	sld [smem:$0x3FB5]  }
0x2d: {  	s3 =	simm.s32 $0x108;
	s8 =	sld [smem:$0x3FB6]  }
0x2e: {  	s3 =	simm.s32 @!p0 $0x1082;
	s9 =	sld [smem:$0x3FB7]  }
0x2f: {  	lr =	sadd.s32 s0, s3;
	s0 =	sld [smem:$0x3FAE]  }
0x30: {  	s3 =	sld [smem:$0x3FB1]  }
0x31: {  	[smem:$0x3FBA] =	sst s10  }
0x32: {  	s10 =	sld [smem:$0x3FB8];
	_ =	sdelay $0x3  }
0x33: {  	p0 =	seq.s32 s10, $0x1;
	s10 =	sld [smem:$0x3FBA];
	_ =	sdelay $0x3  }
0x34: {  	[smem:$0x3FBA] =	sst s10  }
0x35: {  	s10 =	sld [smem:$0x3FB9];
	_ =	sdelay $0x3  }
0x36: {  	p1 =	seq.s32 s10, $0x1;
	s10 =	sld [smem:$0x3FBA];
	_ =	sdelay $0x3  }
0x37: {  	[smem:$0x3FBA] =	sst s10  }
0x38: {  	s10 =	sld [smem:$0x3FBB]  }
0x39: {  	_ = 	snop;
	(pc) =	sbr.ind lr, $3  }
0x3a: {  	_ = 	snop  }
0x3b: {  	_ = 	snop  }
0x3c: {  	p2 =	seq.s32 s10, $0x1;
	s10 =	sld [smem:$0x3FBA]  }
0x3d: {  	_ =	shalt  }
0x3e: {  	_ =	shalt  }
0x3f: {  	_ =	shalt  }
0x40: {  	_ =	shalt  }
0x41: {  	_ =	shalt  }
0x42: {  	_ =	shalt  }
0x43: {  	_ =	shalt  }
0x44: {  	_ =	shalt  }
0x45: {  	_ =	shalt  }
0x46: {  	_ =	shalt  }
0x47: {  	_ =	shalt  }
0x48: {  	_ =	shalt  }
0x49: {  	_ =	shalt  }
0x4a: {  	_ =	shalt  }
0x4b: {  	_ =	shalt  }
0x4c: {  	_ =	shalt  }
0x4d: {  	_ =	shalt  }
0x4e: {  	_ =	shalt  }
0x4f: {  	_ =	shalt  }
0x50: {  	_ =	shalt  }
0x51: {  	_ =	shalt  }
0x52: {  	_ =	shalt  }
0x53: {  	_ =	shalt  }
0x54: {  	_ =	shalt  }
0x55: {  	_ =	shalt  }
0x56: {  	_ =	shalt  }
0x57: {  	_ =	shalt  }
0x58: {  	_ =	shalt  }
0x59: {  	_ =	shalt  }
0x5a: {  	_ =	shalt  }
0x5b: {  	_ =	shalt  }
0x5c: {  	_ =	shalt  }
0x5d: {  	_ =	shalt  }
0x5e: {  	_ =	shalt  }
0x5f: {  	_ =	shalt  }
0x60: {  	_ =	shalt  }
0x61: {  	_ =	shalt  }
0x62: {  	_ =	shalt  }
0x63: {  	_ =	shalt  }
0x64: {  	_ =	shalt  }
0x65: {  	_ =	shalt  }
0x66: {  	_ =	shalt  }
0x67: {  	_ =	shalt  }
0x68: {  	_ =	shalt  }
0x69: {  	_ =	shalt  }
0x6a: {  	_ =	shalt  }
0x6b: {  	_ =	shalt  }
0x6c: {  	_ =	shalt  }
0x6d: {  	_ =	shalt  }
0x6e: {  	_ =	shalt  }
0x6f: {  	_ =	shalt  }
0x70: {  	_ =	shalt  }
0x71: {  	_ =	shalt  }
0x72: {  	_ =	shalt  }
0x73: {  	_ =	shalt  }
0x74: {  	_ =	shalt  }
0x75: {  	_ =	shalt  }
0x76: {  	_ =	shalt  }
0x77: {  	_ =	shalt  }
0x78: {  	_ =	shalt  }
0x79: {  	_ =	shalt  }
0x7a: {  	_ =	shalt  }
0x7b: {  	_ =	shalt  }
0x7c: {  	_ =	shalt  }
0x7d: {  	_ =	shalt  }
0x7e: {  	_ =	shalt  }
0x7f: {  	_ =	shalt  }
0x80: {  	_ =	shalt  }
0x81: {  	_ =	shalt  }
0x82: {  	_ =	shalt  }
0x83: {  	_ =	shalt  }
0x84: {  	_ =	shalt  }
0x85: {  	_ =	shalt  }
0x86: {  	_ =	shalt  }
0x87: {  	_ =	shalt  }
.Lfunc_end0:
.L_simem_size_0:
called_computation.7_lowered:
.L_overlay_start_0:
0x88: {  	s2 =	sld [smem:$0x3FD9]  }
0x89: {  	s3 =	sld [smem:$0x3FFE];
	_ =	sdelay $0x1  }
0x8a: {  	s1 =	srdreg.scid  }
0x8b: {  	s0 =	sand.u32 $0x1, s1  }
0x8c: {  	s17 =	sshll.u32 s0, $0xA;
	s2 =	sadd.s32 s3, s2  }
0x8d: {  	s2 =	sadd.s32 s2, s17  }
0x8e: {  	[smem:$0x3FC6] =	sst s2  }
0x8f: {  	_ = 	snop  }
0x90: {  	(tm) =	ssettm $0x1  }
0x91: {  	s18 =	sld [smem:$0x3FFB];
	_ =	sdelay $0x3  }
0x92: {  	_ =	strace s18  }
0x93: {  	s2 =	sld [smem:$0x3FFC];
	_ =	sdelay $0x3  }
0x94: {  	_ =	strace s2  }
0x95: {  	s2 =	sld [smem:$0x3FFD];
	_ =	sdelay $0x3  }
0x96: {  	_ =	strace s2  }
0x97: {  	_ =	strace $0x8FFFFFFF  }
0x98: {  	s19 =	sld [smem:$0x3FDB];
	_ =	sdelay $0x1  }
0x99: {  	s20 =	simm.s32 $_scs_section_size  }
0x9a: {  	s4 =	simm.s32 $_size__tile_overlayer_lowered;
	s5 =	simm.s32 $_tile_overlayer_lowered  }
0x9b: {  	s6 =	simm.s32 $0x1BFF;
	s21 =	sshll.u32 s5, $0x1;
	s3 =	sadd.s32 s20, s19  }
0x9c: {  	s22 =	simm.s32 $0x0;
	s4 =	sshll.u32 s4, $0x1;
	s5 =	sadd.s32 s21, s3  }
0x9d: {  	[timem:s22], [sflag:s6] =	dma.local [hbm:s5], s4  }
0x9e: {  	_ =	swait.ge [sflag:s6], s4  }
0x9f: {  	s4 =	ssub.s32 $0x0, s4;
	[sflag:s6] =	ssyncset.done $0x0  }
0xa0: {  	[sflag:s6] =	ssyncadd.s32 s4;
	_ =	sdelay $0x1  }
0xa1: {  	s23 =	simm.s32 $0x1B8B  }
0xa2: {  	_ =	swait.ge [sflag:s23], $0x1  }
0xa3: {  	[sflag:s23] =	ssyncset.done $0x0  }
0xa4: {  	[sflag:s23] =	ssyncadd.s32 $0xFFFFFFFF  }
0xa5: {  	s4 =	sld [smem:$0x0]  }
0xa6: {  	s5 =	sand.u32 $0xFFFFFFFE, s1  }
0xa7: {  	p0 =	sne.s32 s1, s5  }
0xa8: {  	s5 =	sshll.u32 @p0 s5, $0xE  }
0xa9: {  	s5 =	sadd.s32 @p0 $0x11B8D, s5;
	s6 =	sshll.u32 @p0 s4, $0x11  }
0xaa: {  	s5 =	sor.u32 @p0 s6, s5  }
0xab: {  	[sflag:s5] =	ssyncadd.remote.s32 @p0 $0x1;
	_ =	sdelay $0x1  }
0xac: {  	s5 =	simm.s32 @p0 $0x1B8D  }
0xad: {  	_ =	swait.eq @p0 [sflag:s5], $0x1  }
0xae: {  	[sflag:s5] =	ssyncadd.s32 @p0 $0xFFFFFFFF  }
0xaf: {  	s6 =	sshll.u32 @!p0 s1, $0xE  }
0xb0: {  	s6 =	sor.u32 @!p0 $0x4000, s6;
	s5 =	simm.s32 @!p0 $0x1B8D  }
0xb1: {  	s4 =	sshll.u32 @!p0 s4, $0x11;
	s6 =	sadd.s32 @!p0 $0x11B8D, s6;
	_ =	swait.eq @!p0 [sflag:s5], $0x1  }
0xb2: {  	s4 =	sor.u32 @!p0 s4, s6;
	[sflag:s5] =	ssyncadd.s32 @!p0 $0xFFFFFFFF  }
0xb3: {  	s25 =	simm.s32 $0x1B8E;
	s24 =	sld [smem:$0x3FFE];
	[sflag:s4] =	ssyncadd.remote.s32 @!p0 $0x1  }
0xb4: {  	s26 =	simm.s32 $execute0_lowered;
	[smem:$0x3FD2] =	sst s25  }
0xb5: {  	s5 =	sshll.u32 s26, $0x1;
	_ =	strace $0x8000005B;
	[dreg:$0x1] =	wrdreg $0xFFFFFFFF  }
0xb6: {  	s28 =	simm.s32 $_size_execute0_lowered;
	s3 =	sadd.s32 s3, s5;
	[dreg:$0x0] =	wrdreg $0x0  }
0xb7: {  	s5 =	sshll.u32 s28, $0x1;
	[dreg:$0x2] =	wrdreg s3  }
0xb8: {  	[dreg:$0x3] =	wrdreg s5  }
0xb9: {  	[dreg:$0x4] =	wrdreg $0xC0  }
0xba: {  	_ =	task [dreg:s22], $0x5FFFF  }
0xbb: {  	[dreg:$0x1] =	wrdreg $0xFFFFFFFF  }
0xbc: {  	[dreg:$0x0] =	wrdreg $0x60  }
0xbd: {  	[dreg:$0x2] =	wrdreg s24  }
0xbe: {  	[dreg:$0x3] =	wrdreg $0x10  }
0xbf: {  	_ =	task.clear_ibuf [dreg:s22], $0x4FFFF;
	_ =	strace $0x9000005B  }
0xc0: {  	s29 =	simm.s32 $0x10;
	_ =	strace $0x8000005D  }
0xc1: {  	_ =	swait.ge [sflag:s29], $0x1  }
0xc2: {  	[sflag:s29] =	ssyncadd.s32 $0xFFFFFFFF  }
0xc3: {  	_ =	strace $0x9000005D  }
0xc4: {  	_ =	sfence  }
0xc5: {  	s30 =	sld [smem:$0x0];
	_ =	sdelay $0x2  }
0xc6: {  	s31 =	sshll.u32 s1, $0xD;
	s1 =	sshrl.u32 s1, $0x2  }
0xc7: {  	s4 =	sand.u32 $0x4000, s31;
	s1 =	sadd.s32 s1, s30  }
0xc8: {  	s0 =	sor.u32 s4, s0;
	s1 =	sshll.u32 s1, $0x11  }
0xc9: {  	s0 =	sor.u32 s1, s0  }
0xca: {  	s0 =	sadd.s32 $0x8F2B, s0  }
0xcb: {  	[sflag:s0] =	ssyncadd.remote.s32 $0x1  }
0xcc: {  	_ =	sfence.sel $0xFFFF  }
0xcd: {  	[dreg:$0x0] =	wrdreg $0xFFFFFFFF;
	(pc) =	sbr.abs _section_cstart, $3  }
0xce: {  	[dreg:$0x1] =	wrdreg $0xFFFFFFFF  }
0xcf: {  	_ =	task.clear_ibuf [dreg:s22], $0x2FFFF;
	_ =	strace $0x9FFFFFFF  }
0xd0: {  	(tm) =	ssettm $0x7FFFFFFF  }
0xd1: {  	_ =	shalt  }
tec
execute0_lowered:
.L_overlay_start_1:
0x0: {  	(tag) =	ssettag $0x1  }
0x1: {  	s1 =	srdreg.scid  }
0x2: {  	s0 =	stileid.u32;
	s3 =	sand.u32 $0x1, s1  }
0x3: {  	s5 =	rddreg [dreg:$0x0];
	s4 =	sshll.u32 s0, $0x7;
	s6 =	sshll.u32 s3, $0x6  }
0x4: {  	s2 =	simm.s32 $0x0;
	s1 =	rddreg [dreg:$0x1];
	s4 =	sor.u32 s6, s4  }
0x5: {  	[smem:$0x7FF] =	sst s2;
	s8 =	ssub.s32 $0x2, s3;
	s6 =	sshrl.u32 s4, $0x3  }
0x6: {  	_ =	strace $0x8000005C;
	s30 =	sshrl.u32 s8, $0x1;
	s6 =	sadd.s32 s6, s5  }
0x7: {  	s7 =	sshll.u32 s4, $0x4;
	s4 =	sadd.s32 $0x3C400, s6;
	s6 =	ssub.s32 s8, s30  }
0x8: {  	[tilespmem:s2], [sflag:$0x1] =	stream.linear.gather [hbm4b:s4+s2], $0x40, $0x38;
	[tilespmem:$0x2080] =	vst v63  }
0x9: {  	s3 =	simm.s32 $0x1;
	s31 =	smax.u32 s6, $0x1  }
0xa: {  	_ =	swait.ge [sflag:s3], $0x40;
	p0 =	sne.s32 s31, $0x1  }
.Ltmp0:
0xb: {  	s5 =	sadd.s32 s7, s5;
	[sflag:s3] =	ssyncset.done $0x0;
	(pc) =	sbr.rel @!p0 .LBB2_2-.Ltmp0, $4  }
0xc: {  	s5 =	sadd.s32 $0x3C600, s5;
	s6 =	simm.s32 $0x80;
	[sflag:s3] =	ssyncadd.s32 $0xFFFFFFC0  }
0xd: {  	[hbm4b:s5+s2] =	stream.linear.scatter [tilespmem:s6], [sflag:$0x1], $0x2000, $0x38;
	[tilespmem:$0x2080] =	vst v63  }
0xe: {  	_ =	swait.ge [sflag:s3], $0x2000  }
0xf: {  	s7 =	sadd.s32 $0xFFFFFFFF, s31;
	[sflag:s3] =	ssyncset.done $0x0  }
.LBB2_1:
0x10: {  	p0 =	sne.s32 s7, $0x1;
	s7 =	sadd.s32 $0xFFFFFFFF, s7;
	[sflag:s3] =	ssyncadd.s32 $0xFFFFE000  }
0x11: {  	[tilespmem:s2], [sflag:$0x1] =	stream.linear.gather [hbm4b:s4+s2], $0x40, $0x38;
	[tilespmem:$0x2080] =	vst v63  }
0x12: {  	_ =	swait.ge [sflag:s3], $0x40  }
.Ltmp1:
0x13: {  	[sflag:s3] =	ssyncset.done $0x0;
	(pc) =	sbr.rel @p0 .LBB2_1-.Ltmp1, $4  }
0x14: {  	[sflag:s3] =	ssyncadd.s32 $0xFFFFFFC0  }
0x15: {  	[hbm4b:s5+s2] =	stream.linear.scatter [tilespmem:s6], [sflag:$0x1], $0x2000, $0x38;
	[tilespmem:$0x2080] =	vst v63  }
0x16: {  	_ =	swait.ge [sflag:s3], $0x2000  }
0x17: {  	[sflag:s3] =	ssyncset.done $0x0  }
.LBB2_2:
0x18: {  	[sflag:s3] =	ssyncadd.s32 $0xFFFFE000  }
0x19: {  	_ =	sfence.sel $0x180000  }
0x1a: {  	[bflag:$0x0] =	sbarrier.arrive $0xFFFF  }
0x1b: {  	p0 =	sne.s32 s0, $0x0;
	_ =	strace $0x9000005C  }
0x1c: {  	s0 =	sadd.s32 @!p0 $0x100000, s1;
	[bflag:$0x2] =	sbarrier.arrive $0xFFFF  }
0x1d: {  	[sflag:s0] =	ssyncadd.tile.s32 @!p0 $0x1;
	_ =	shalt  }
.Lfunc_end2:
_tile_overlayer_lowered:
.L_overlay_start_2:
0x1e: {  	(tag) =	ssettag $0x2  }
0x1f: {  	s0 =	rddreg [dreg:$0x0];
	s2 =	stileid.u32  }
0x20: {  	s1 =	rddreg [dreg:$0x1];
	p0 =	sne.s32 s2, $0x0  }
0x21: {  	s3 =	rddreg [dreg:$0x2];
	[bflag:$0x3] =	sbarrier.arrive $0xFFFF;
	s2 =	simm.s32 @!p0 $0x1C01  }
0x22: {  	[timem:s3], [sflag:s2] =	dma.local @!p0 [hbm:s0], s1  }
0x23: {  	s0 =	simm.s32 @!p0 $0x1  }
0x24: {  	_ =	swait.ge @!p0 [sflag:s0], s1  }
0x25: {  	s1 =	ssub.s32 @!p0 $0x0, s1;
	[sflag:s0] =	ssyncset.done @!p0 $0x0  }
0x26: {  	[sflag:s0] =	ssyncadd.s32 @!p0 s1  }
0x27: {  	[bflag:$0x3] =	sbarrier.arrive $0xFFFF  }
0x28: {  	_ =	shalt  }

</sc_bundles>
